<compile_context>
chip_gen: v7x
topology: tpu7x:2x2x1
jax: 0.10.2.dev20260603
libtpu: 0.0.44.dev20260713+nightly
codegen_flags: <defaults>
</compile_context>

<pallas_src>
import functools

import jax
import jax.numpy as jnp
import numpy as np
from jax import lax
from jax.experimental import pallas as pl
from jax.experimental.pallas import tpu as pltpu
from jax.experimental.pallas import tpu_sc as plsc

_B = 1024
_P = 64
_SLAB = 8
_NQ = 4
_BQ = _B // _NQ
_L = 16

_SPACE = np.array([8000.0, 8000.0, 2000.0], np.float32)
_VOX = np.array([80.0, 80.0, 20.0], np.float32)
_CENTER = np.array([0.0, 0.0, 1000.0], np.float32)
_SCALE = _SPACE / (_VOX - 1.0)
_BIAS = _CENTER - _SPACE / 2.0
_MIN_SCORE = 0.3


@functools.partial(
    pl.kernel,
    mesh=plsc.VectorSubcoreMesh(core_axis_name="c", subcore_axis_name="s"),
    out_type=jax.ShapeDtypeStruct((7, _P, _B), jnp.float32),
    scratch_types=[
        pltpu.VMEM((3, _SLAB, _BQ), jnp.int32),
        pltpu.VMEM((_SLAB, _BQ), jnp.float32),
        pltpu.VMEM((_SLAB, 2, _BQ), jnp.float32),
        pltpu.VMEM((4, _SLAB, _BQ), jnp.float32),
    ],
    compiler_params=pltpu.CompilerParams(needs_layout_passes=False),
)
def _proposal_sc(idx_hbm, conf_hbm, bbox_hbm, out_hbm, idx_v, conf_v, bbox_v, out_v):
    wid = lax.axis_index("s") * 2 + lax.axis_index("c")
    p0 = (wid // _NQ) * _SLAB
    b0 = (wid % _NQ) * _BQ

    pltpu.sync_copy(idx_hbm.at[:, pl.ds(p0, _SLAB), pl.ds(b0, _BQ)], idx_v)
    pltpu.sync_copy(conf_hbm.at[pl.ds(p0, _SLAB), pl.ds(b0, _BQ)], conf_v)
    pltpu.sync_copy(bbox_hbm.at[pl.ds(p0, _SLAB), :, pl.ds(b0, _BQ)], bbox_v)

    sc = [float(_SCALE[0]), float(_SCALE[1]), float(_SCALE[2])]
    bi = [float(_BIAS[0]), float(_BIAS[1]), float(_BIAS[2])]

    def step(k, carry):
        q0 = k * _L
        for r in range(_SLAB):
            for c in range(3):
                v = idx_v[c, r, pl.ds(q0, _L)].astype(jnp.float32)
                out_v[c, r, pl.ds(q0, _L)] = v * sc[c] + bi[c]
            cf = conf_v[r, pl.ds(q0, _L)]
            out_v[3, r, pl.ds(q0, _L)] = (cf > _MIN_SCORE).astype(jnp.float32) - 1.0
        return carry

    lax.fori_loop(0, _BQ // _L, step, 0)

    pltpu.sync_copy(out_v, out_hbm.at[pl.ds(0, 4), pl.ds(p0, _SLAB), pl.ds(b0, _BQ)])
    pltpu.sync_copy(conf_v, out_hbm.at[4, pl.ds(p0, _SLAB), pl.ds(b0, _BQ)])
    pltpu.sync_copy(bbox_v.at[:, 0, :], out_hbm.at[5, pl.ds(p0, _SLAB), pl.ds(b0, _BQ)])
    pltpu.sync_copy(bbox_v.at[:, 1, :], out_hbm.at[6, pl.ds(p0, _SLAB), pl.ds(b0, _BQ)])


def kernel(topk_index, topk_confs, match_bbox_preds, meta):
    del meta
    idx_t = jnp.transpose(topk_index, (2, 1, 0))
    conf_t = jnp.transpose(topk_confs, (1, 0))
    bbox_t = jnp.transpose(match_bbox_preds, (1, 2, 0))
    out_t = _proposal_sc(idx_t, conf_t, bbox_t)
    return jnp.transpose(out_t, (2, 1, 0))

# --- scband reference (transcript-rebuilt; emitter-appended) ---
"""Pipeline reference for scband-proposal-layer-50182397887268 (READ-ONLY COPY).

The authoritative reference and input builder live on the scoring server;
editing this copy changes nothing except your own understanding.
"""

import jax, jax.numpy as jnp
import numpy as np

MAX_PEOPLE = 64
MIN_SCORE = 0.3
SPACE_SIZE = np.array([8000.0, 8000.0, 2000.0], dtype=np.float32)
VOXELS_PER_AXIS = np.array([80.0, 80.0, 20.0], dtype=np.float32)
SPACE_CENTER = np.array([0.0, 0.0, 1000.0], dtype=np.float32)
SCALE = SPACE_SIZE / (VOXELS_PER_AXIS - 1.0)
BIAS = SPACE_CENTER - SPACE_SIZE / 2.0


def setup_inputs(seed: int = 0) -> dict:
    key = jax.random.key(seed)
    k1, k2, k3 = jax.random.split(key, 3)
    topk_index = jax.random.randint(k1, (1024, MAX_PEOPLE, 3), 0, 80, dtype=jnp.int64 if jax.config.jax_enable_x64 else jnp.int32).astype(jnp.int32)
    topk_confs = jax.random.uniform(k2, (1024, MAX_PEOPLE), dtype=jnp.float32)
    match_bbox_preds = jax.random.uniform(k3, (1024, MAX_PEOPLE, 2), dtype=jnp.float32)
    return {"topk_index": topk_index, "topk_confs": topk_confs, "match_bbox_preds": match_bbox_preds, "meta": 0}


def reference(topk_index, topk_confs, match_bbox_preds, meta):
    # Eval path of ProposalLayer.forward (self.training == False, so the
    # filter_proposal / gt branch is never taken and `meta` is unused).
    scale = jnp.asarray(SCALE, dtype=jnp.float32)
    bias = jnp.asarray(BIAS, dtype=jnp.float32)
    xyz = topk_index.astype(jnp.float32) * scale + bias  # [B, P, 3]
    flag = (topk_confs > MIN_SCORE).astype(jnp.float32) - 1.0  # [B, P]
    # proposal_centers layout: [:, :, 0:3]=xyz, [:, :, 3]=flag, [:, :, 4]=conf, [:, :, 5:7]=bbox
    proposal_centers = jnp.concatenate(
        [xyz, flag[..., None], topk_confs[..., None], match_bbox_preds], axis=-1
    )  # [B, P, 7]
    return proposal_centers

if __name__ == "__main__":
    import jax
    _d = setup_inputs()
    print(jax.jit(kernel)(*tuple(_d.values())))

</pallas_src>

<mosaic_0001>
#map = affine_map<(d0, d1) -> (0, 0, 0)>
#map1 = affine_map<(d0, d1) -> (0, 0)>
module attributes {stable_mosaic.version = 14 : i64} {
  func.func @_proposal_sc(%arg0: i32, %arg1: i32, %arg2: memref<3x64x1024xi32, #tpu.memory_space<hbm>>, %arg3: memref<64x1024xf32, #tpu.memory_space<hbm>>, %arg4: memref<64x2x1024xf32, #tpu.memory_space<hbm>>, %arg5: memref<7x64x1024xf32, #tpu.memory_space<hbm>>, %arg6: memref<3x8x256xi32, #tpu.memory_space<vmem>>, %arg7: memref<8x256xf32, #tpu.memory_space<vmem>>, %arg8: memref<8x2x256xf32, #tpu.memory_space<vmem>>, %arg9: memref<4x8x256xf32, #tpu.memory_space<vmem>>) attributes {dimension_semantics = [#tpu.dimension_semantics<core_parallel>, #tpu.dimension_semantics<subcore_parallel>], iteration_bounds = array<i64: 2, 16>, scalar_prefetch = 0 : i64, scratch_operands = 4 : i64, tpu.core_type = #tpu.core_type<sc_vector_subcore>, window_params = [{transform_indices = #map}, {transform_indices = #map1}, {transform_indices = #map}, {transform_indices = #map}]} {
    %mul3A = arith.constant 2 : i32
    %mul3A_0 = arith.muli %arg1, %mul3A : i32
    %add3A = arith.addi %mul3A_0, %arg0 : i32
    %jit3A = arith.constant 4 : i32
    %div3A = arith.divsi %add3A, %jit3A : i32
    %sign3A = arith.constant 0 : i32
    %sign3A_1 = arith.cmpi sgt, %add3A, %sign3A : i32
    %sign3A_2 = arith.extui %sign3A_1 : i1 to i32
    %sign3A_3 = arith.constant 0 : i32
    %sign3A_4 = arith.cmpi slt, %add3A, %sign3A_3 : i32
    %sign3A_5 = arith.extui %sign3A_4 : i1 to i32
    %sign3A_6 = arith.subi %sign3A_2, %sign3A_5 : i32
    %sign3A_7 = arith.constant 0 : i32
    %sign3A_8 = arith.cmpi sgt, %jit3A, %sign3A_7 : i32
    %sign3A_9 = arith.extui %sign3A_8 : i1 to i32
    %sign3A_10 = arith.constant 0 : i32
    %sign3A_11 = arith.cmpi slt, %jit3A, %sign3A_10 : i32
    %sign3A_12 = arith.extui %sign3A_11 : i1 to i32
    %sign3A_13 = arith.subi %sign3A_9, %sign3A_12 : i32
    %ne3A = arith.cmpi ne, %sign3A_6, %sign3A_13 : i32
    %rem3A = arith.remsi %add3A, %jit3A : i32
    %ne3A_14 = arith.constant 0 : i32
    %ne3A_15 = arith.cmpi ne, %rem3A, %ne3A_14 : i32
    %and3A = arith.andi %ne3A, %ne3A_15 : i1
    %sub3A = arith.constant 1 : i32
    %sub3A_16 = arith.subi %div3A, %sub3A : i32
    %select_n3A = arith.select %and3A, %sub3A_16, %div3A : i32
    %mul3A_17 = arith.constant 8 : i32
    %mul3A_18 = arith.muli %select_n3A, %mul3A_17 : i32
    %jit3A_19 = arith.constant 4 : i32
    %eq3A = arith.constant 0 : i32
    %eq3A_20 = arith.cmpi eq, %jit3A_19, %eq3A : i32
    %jit3A_21 = arith.constant 1 : i32
    %select_n3A_22 = arith.select %eq3A_20, %jit3A_21, %jit3A_19 : i32
    %rem3A_23 = arith.remsi %add3A, %select_n3A_22 : i32
    %ne3A_24 = arith.constant 0 : i32
    %ne3A_25 = arith.cmpi ne, %rem3A_23, %ne3A_24 : i32
    %lt3A = arith.constant 0 : i32
    %lt3A_26 = arith.cmpi slt, %rem3A_23, %lt3A : i32
    %lt3A_27 = arith.constant 0 : i32
    %lt3A_28 = arith.cmpi slt, %select_n3A_22, %lt3A_27 : i32
    %ne3A_29 = arith.xori %lt3A_26, %lt3A_28 : i1
    %and3A_30 = arith.andi %ne3A_29, %ne3A_25 : i1
    %add3A_31 = arith.addi %rem3A_23, %select_n3A_22 : i32
    %select_n3A_32 = arith.select %and3A_30, %add3A_31, %rem3A_23 : i32
    %mul3A_33 = arith.constant 256 : i32
    %mul3A_34 = arith.muli %select_n3A_32, %mul3A_33 : i32
    "tpu.region"() ({
      %run_scoped3A_44 = tpu.sem_alloc : memref<!tpu.dma_semaphore, #tpu.memory_space<semaphore_mem>>
      %dma_start3A = arith.constant 0 : i32
      %dma_start3A_45 = tpu.memref_slice %arg2[%dma_start3A, %mul3A_18, %mul3A_34] : memref<3x64x1024xi32, #tpu.memory_space<hbm>> -> memref<3x8x256xi32, #tpu.memory_space<hbm>>
      %dma_start3A_46 = arith.constant 0 : i32
      %dma_start3A_47 = tpu.memref_slice %arg2[%dma_start3A_46, %mul3A_18, %mul3A_34] : memref<3x64x1024xi32, #tpu.memory_space<hbm>> -> memref<3x8x256xi32, #tpu.memory_space<hbm>>
      tpu.enqueue_dma source(%dma_start3A_47 : memref<3x8x256xi32, #tpu.memory_space<hbm>>) target(%arg6 : memref<3x8x256xi32, #tpu.memory_space<vmem>>) target_semaphore(%run_scoped3A_44 : memref<!tpu.dma_semaphore, #tpu.memory_space<semaphore_mem>>)
      %dma_wait3A = arith.constant 0 : i32
      %dma_wait3A_48 = tpu.memref_slice %arg2[%dma_wait3A, %mul3A_18, %mul3A_34] : memref<3x64x1024xi32, #tpu.memory_space<hbm>> -> memref<3x8x256xi32, #tpu.memory_space<hbm>>
      %dma_wait3A_49 = arith.constant 0 : i32
      %dma_wait3A_50 = tpu.memref_slice %arg2[%dma_wait3A_49, %mul3A_18, %mul3A_34] : memref<3x64x1024xi32, #tpu.memory_space<hbm>> -> memref<3x8x256xi32, #tpu.memory_space<hbm>>
      tpu.wait_dma2 semaphore(%run_scoped3A_44 : memref<!tpu.dma_semaphore, #tpu.memory_space<semaphore_mem>>) src(%dma_wait3A_50 : memref<3x8x256xi32, #tpu.memory_space<hbm>>) dst(%arg6 : memref<3x8x256xi32, #tpu.memory_space<vmem>>)
      tpu.yield
    }) : () -> ()
    "tpu.region"() ({
      %run_scoped3A_44 = tpu.sem_alloc : memref<!tpu.dma_semaphore, #tpu.memory_space<semaphore_mem>>
      %dma_start3A = tpu.memref_slice %arg3[%mul3A_18, %mul3A_34] : memref<64x1024xf32, #tpu.memory_space<hbm>> -> memref<8x256xf32, #tpu.memory_space<hbm>>
      %dma_start3A_45 = tpu.memref_slice %arg3[%mul3A_18, %mul3A_34] : memref<64x1024xf32, #tpu.memory_space<hbm>> -> memref<8x256xf32, #tpu.memory_space<hbm>>
      tpu.enqueue_dma source(%dma_start3A_45 : memref<8x256xf32, #tpu.memory_space<hbm>>) target(%arg7 : memref<8x256xf32, #tpu.memory_space<vmem>>) target_semaphore(%run_scoped3A_44 : memref<!tpu.dma_semaphore, #tpu.memory_space<semaphore_mem>>)
      %dma_wait3A = tpu.memref_slice %arg3[%mul3A_18, %mul3A_34] : memref<64x1024xf32, #tpu.memory_space<hbm>> -> memref<8x256xf32, #tpu.memory_space<hbm>>
      %dma_wait3A_46 = tpu.memref_slice %arg3[%mul3A_18, %mul3A_34] : memref<64x1024xf32, #tpu.memory_space<hbm>> -> memref<8x256xf32, #tpu.memory_space<hbm>>
      tpu.wait_dma2 semaphore(%run_scoped3A_44 : memref<!tpu.dma_semaphore, #tpu.memory_space<semaphore_mem>>) src(%dma_wait3A_46 : memref<8x256xf32, #tpu.memory_space<hbm>>) dst(%arg7 : memref<8x256xf32, #tpu.memory_space<vmem>>)
      tpu.yield
    }) : () -> ()
    "tpu.region"() ({
      %run_scoped3A_44 = tpu.sem_alloc : memref<!tpu.dma_semaphore, #tpu.memory_space<semaphore_mem>>
      %dma_start3A = arith.constant 0 : i32
      %dma_start3A_45 = tpu.memref_slice %arg4[%mul3A_18, %dma_start3A, %mul3A_34] : memref<64x2x1024xf32, #tpu.memory_space<hbm>> -> memref<8x2x256xf32, #tpu.memory_space<hbm>>
      %dma_start3A_46 = arith.constant 0 : i32
      %dma_start3A_47 = tpu.memref_slice %arg4[%mul3A_18, %dma_start3A_46, %mul3A_34] : memref<64x2x1024xf32, #tpu.memory_space<hbm>> -> memref<8x2x256xf32, #tpu.memory_space<hbm>>
      tpu.enqueue_dma source(%dma_start3A_47 : memref<8x2x256xf32, #tpu.memory_space<hbm>>) target(%arg8 : memref<8x2x256xf32, #tpu.memory_space<vmem>>) target_semaphore(%run_scoped3A_44 : memref<!tpu.dma_semaphore, #tpu.memory_space<semaphore_mem>>)
      %dma_wait3A = arith.constant 0 : i32
      %dma_wait3A_48 = tpu.memref_slice %arg4[%mul3A_18, %dma_wait3A, %mul3A_34] : memref<64x2x1024xf32, #tpu.memory_space<hbm>> -> memref<8x2x256xf32, #tpu.memory_space<hbm>>
      %dma_wait3A_49 = arith.constant 0 : i32
      %dma_wait3A_50 = tpu.memref_slice %arg4[%mul3A_18, %dma_wait3A_49, %mul3A_34] : memref<64x2x1024xf32, #tpu.memory_space<hbm>> -> memref<8x2x256xf32, #tpu.memory_space<hbm>>
      tpu.wait_dma2 semaphore(%run_scoped3A_44 : memref<!tpu.dma_semaphore, #tpu.memory_space<semaphore_mem>>) src(%dma_wait3A_50 : memref<8x2x256xf32, #tpu.memory_space<hbm>>) dst(%arg8 : memref<8x2x256xf32, #tpu.memory_space<vmem>>)
      tpu.yield
    }) : () -> ()
    %scan3A = arith.constant 0 : i32
    %scan3A_35 = arith.constant 0 : i32
    %scan3A_36 = arith.constant 16 : i32
    %scan3A_37 = arith.addi %scan3A_35, %scan3A_36 : i32
    %scan3A_38 = arith.constant 1 : i32
    scf.for %scan3A_44 = %scan3A_35 to %scan3A_37 step %scan3A_38  : i32 {
      %mul3A_45 = arith.constant 16 : i32
      %mul3A_46 = arith.muli %scan3A_44, %mul3A_45 : i32
      %get3A = arith.constant 0 : i32
      %get3A_47 = arith.constant 0 : i32
      %get3A_48 = arith.index_cast %get3A : i32 to index
      %get3A_49 = arith.index_cast %get3A_47 : i32 to index
      %get3A_50 = arith.index_cast %mul3A_46 : i32 to index
      %get3A_51 = tpu.vector_load %arg6[%get3A_48, %get3A_49, %get3A_50] {strides = array<i32>} : memref<3x8x256xi32, #tpu.memory_space<vmem>>, vector<16xi32>,
      %convert_element_type3A = arith.sitofp %get3A_51 : vector<16xi32> to vector<16xf32>
      %mul3A_52 = arith.constant 101.265823 : f32
      %mul3A_53 = vector.broadcast %mul3A_52 : f32 to vector<16xf32>
      %mul3A_54 = arith.mulf %convert_element_type3A, %mul3A_53 : vector<16xf32>
      %add3A_55 = arith.constant -4.000000e+03 : f32
      %add3A_56 = vector.broadcast %add3A_55 : f32 to vector<16xf32>
      %add3A_57 = arith.addf %mul3A_54, %add3A_56 : vector<16xf32>
      %swap3A = arith.constant 0 : i32
      %swap3A_58 = arith.constant 0 : i32
      %swap3A_59 = arith.index_cast %swap3A : i32 to index
      %swap3A_60 = arith.index_cast %swap3A_58 : i32 to index
      %swap3A_61 = arith.index_cast %mul3A_46 : i32 to index
      %swap3A_62 = tpu.vector_load %arg9[%swap3A_59, %swap3A_60, %swap3A_61] {strides = array<i32>} : memref<4x8x256xf32, #tpu.memory_space<vmem>>, vector<16xf32>,
      tpu.vector_store %arg9[%swap3A_59, %swap3A_60, %swap3A_61], %add3A_57 {strides = array<i32>} : memref<4x8x256xf32, #tpu.memory_space<vmem>>, vector<16xf32>,
      %get3A_63 = arith.constant 1 : i32
      %get3A_64 = arith.constant 0 : i32
      %get3A_65 = arith.index_cast %get3A_63 : i32 to index
      %get3A_66 = arith.index_cast %get3A_64 : i32 to index
      %get3A_67 = arith.index_cast %mul3A_46 : i32 to index
      %get3A_68 = tpu.vector_load %arg6[%get3A_65, %get3A_66, %get3A_67] {strides = array<i32>} : memref<3x8x256xi32, #tpu.memory_space<vmem>>, vector<16xi32>,
      %convert_element_type3A_69 = arith.sitofp %get3A_68 : vector<16xi32> to vector<16xf32>
      %mul3A_70 = arith.constant 101.265823 : f32
      %mul3A_71 = vector.broadcast %mul3A_70 : f32 to vector<16xf32>
      %mul3A_72 = arith.mulf %convert_element_type3A_69, %mul3A_71 : vector<16xf32>
      %add3A_73 = arith.constant -4.000000e+03 : f32
      %add3A_74 = vector.broadcast %add3A_73 : f32 to vector<16xf32>
      %add3A_75 = arith.addf %mul3A_72, %add3A_74 : vector<16xf32>
      %swap3A_76 = arith.constant 1 : i32
      %swap3A_77 = arith.constant 0 : i32
      %swap3A_78 = arith.index_cast %swap3A_76 : i32 to index
      %swap3A_79 = arith.index_cast %swap3A_77 : i32 to index
      %swap3A_80 = arith.index_cast %mul3A_46 : i32 to index
      %swap3A_81 = tpu.vector_load %arg9[%swap3A_78, %swap3A_79, %swap3A_80] {strides = array<i32>} : memref<4x8x256xf32, #tpu.memory_space<vmem>>, vector<16xf32>,
      tpu.vector_store %arg9[%swap3A_78, %swap3A_79, %swap3A_80], %add3A_75 {strides = array<i32>} : memref<4x8x256xf32, #tpu.memory_space<vmem>>, vector<16xf32>,
      %get3A_82 = arith.constant 2 : i32
      %get3A_83 = arith.constant 0 : i32
      %get3A_84 = arith.index_cast %get3A_82 : i32 to index
      %get3A_85 = arith.index_cast %get3A_83 : i32 to index
      %get3A_86 = arith.index_cast %mul3A_46 : i32 to index
      %get3A_87 = tpu.vector_load %arg6[%get3A_84, %get3A_85, %get3A_86] {strides = array<i32>} : memref<3x8x256xi32, #tpu.memory_space<vmem>>, vector<16xi32>,
      %convert_element_type3A_88 = arith.sitofp %get3A_87 : vector<16xi32> to vector<16xf32>
      %mul3A_89 = arith.constant 105.263161 : f32
      %mul3A_90 = vector.broadcast %mul3A_89 : f32 to vector<16xf32>
      %mul3A_91 = arith.mulf %convert_element_type3A_88, %mul3A_90 : vector<16xf32>
      %add3A_92 = arith.constant 0.000000e+00 : f32
      %add3A_93 = vector.broadcast %add3A_92 : f32 to vector<16xf32>
      %add3A_94 = arith.addf %mul3A_91, %add3A_93 : vector<16xf32>
      %swap3A_95 = arith.constant 2 : i32
      %swap3A_96 = arith.constant 0 : i32
      %swap3A_97 = arith.index_cast %swap3A_95 : i32 to index
      %swap3A_98 = arith.index_cast %swap3A_96 : i32 to index
      %swap3A_99 = arith.index_cast %mul3A_46 : i32 to index
      %swap3A_100 = tpu.vector_load %arg9[%swap3A_97, %swap3A_98, %swap3A_99] {strides = array<i32>} : memref<4x8x256xf32, #tpu.memory_space<vmem>>, vector<16xf32>,
      tpu.vector_store %arg9[%swap3A_97, %swap3A_98, %swap3A_99], %add3A_94 {strides = array<i32>} : memref<4x8x256xf32, #tpu.memory_space<vmem>>, vector<16xf32>,
      %get3A_101 = arith.constant 0 : i32
      %get3A_102 = arith.index_cast %get3A_101 : i32 to index
      %get3A_103 = arith.index_cast %mul3A_46 : i32 to index
      %get3A_104 = tpu.vector_load %arg7[%get3A_102, %get3A_103] {strides = array<i32>} : memref<8x256xf32, #tpu.memory_space<vmem>>, vector<16xf32>,
      %gt3A = arith.constant 3.000000e-01 : f32
      %gt3A_105 = vector.broadcast %gt3A : f32 to vector<16xf32>
      %gt3A_106 = arith.cmpf ogt, %get3A_104, %gt3A_105 : vector<16xf32>
      %convert_element_type3A_107 = arith.extui %gt3A_106 : vector<16xi1> to vector<16xi32>
      %convert_element_type3A_108 = arith.sitofp %convert_element_type3A_107 : vector<16xi32> to vector<16xf32>
      %sub3A_109 = arith.constant 1.000000e+00 : f32
      %sub3A_110 = vector.broadcast %sub3A_109 : f32 to vector<16xf32>
      %sub3A_111 = arith.subf %convert_element_type3A_108, %sub3A_110 : vector<16xf32>
      %swap3A_112 = arith.constant 3 : i32
      %swap3A_113 = arith.constant 0 : i32
      %swap3A_114 = arith.index_cast %swap3A_112 : i32 to index
      %swap3A_115 = arith.index_cast %swap3A_113 : i32 to index
      %swap3A_116 = arith.index_cast %mul3A_46 : i32 to index
      %swap3A_117 = tpu.vector_load %arg9[%swap3A_114, %swap3A_115, %swap3A_116] {strides = array<i32>} : memref<4x8x256xf32, #tpu.memory_space<vmem>>, vector<16xf32>,
      tpu.vector_store %arg9[%swap3A_114, %swap3A_115, %swap3A_116], %sub3A_111 {strides = array<i32>} : memref<4x8x256xf32, #tpu.memory_space<vmem>>, vector<16xf32>,
      %get3A_118 = arith.constant 0 : i32
      %get3A_119 = arith.constant 1 : i32
      %get3A_120 = arith.index_cast %get3A_118 : i32 to index
      %get3A_121 = arith.index_cast %get3A_119 : i32 to index
      %get3A_122 = arith.index_cast %mul3A_46 : i32 to index
      %get3A_123 = tpu.vector_load %arg6[%get3A_120, %get3A_121, %get3A_122] {strides = array<i32>} : memref<3x8x256xi32, #tpu.memory_space<vmem>>, vector<16xi32>,
      %convert_element_type3A_124 = arith.sitofp %get3A_123 : vector<16xi32> to vector<16xf32>
      %mul3A_125 = arith.constant 101.265823 : f32
      %mul3A_126 = vector.broadcast %mul3A_125 : f32 to vector<16xf32>
      %mul3A_127 = arith.mulf %convert_element_type3A_124, %mul3A_126 : vector<16xf32>
      %add3A_128 = arith.constant -4.000000e+03 : f32
      %add3A_129 = vector.broadcast %add3A_128 : f32 to vector<16xf32>
      %add3A_130 = arith.addf %mul3A_127, %add3A_129 : vector<16xf32>
      %swap3A_131 = arith.constant 0 : i32
      %swap3A_132 = arith.constant 1 : i32
      %swap3A_133 = arith.index_cast %swap3A_131 : i32 to index
      %swap3A_134 = arith.index_cast %swap3A_132 : i32 to index
      %swap3A_135 = arith.index_cast %mul3A_46 : i32 to index
      %swap3A_136 = tpu.vector_load %arg9[%swap3A_133, %swap3A_134, %swap3A_135] {strides = array<i32>} : memref<4x8x256xf32, #tpu.memory_space<vmem>>, vector<16xf32>,
      tpu.vector_store %arg9[%swap3A_133, %swap3A_134, %swap3A_135], %add3A_130 {strides = array<i32>} : memref<4x8x256xf32, #tpu.memory_space<vmem>>, vector<16xf32>,
      %get3A_137 = arith.constant 1 : i32
      %get3A_138 = arith.constant 1 : i32
      %get3A_139 = arith.index_cast %get3A_137 : i32 to index
      %get3A_140 = arith.index_cast %get3A_138 : i32 to index
      %get3A_141 = arith.index_cast %mul3A_46 : i32 to index
      %get3A_142 = tpu.vector_load %arg6[%get3A_139, %get3A_140, %get3A_141] {strides = array<i32>} : memref<3x8x256xi32, #tpu.memory_space<vmem>>, vector<16xi32>,
      %convert_element_type3A_143 = arith.sitofp %get3A_142 : vector<16xi32> to vector<16xf32>
      %mul3A_144 = arith.constant 101.265823 : f32
      %mul3A_145 = vector.broadcast %mul3A_144 : f32 to vector<16xf32>
      %mul3A_146 = arith.mulf %convert_element_type3A_143, %mul3A_145 : vector<16xf32>
      %add3A_147 = arith.constant -4.000000e+03 : f32
      %add3A_148 = vector.broadcast %add3A_147 : f32 to vector<16xf32>
      %add3A_149 = arith.addf %mul3A_146, %add3A_148 : vector<16xf32>
      %swap3A_150 = arith.constant 1 : i32
      %swap3A_151 = arith.constant 1 : i32
      %swap3A_152 = arith.index_cast %swap3A_150 : i32 to index
      %swap3A_153 = arith.index_cast %swap3A_151 : i32 to index
      %swap3A_154 = arith.index_cast %mul3A_46 : i32 to index
      %swap3A_155 = tpu.vector_load %arg9[%swap3A_152, %swap3A_153, %swap3A_154] {strides = array<i32>} : memref<4x8x256xf32, #tpu.memory_space<vmem>>, vector<16xf32>,
      tpu.vector_store %arg9[%swap3A_152, %swap3A_153, %swap3A_154], %add3A_149 {strides = array<i32>} : memref<4x8x256xf32, #tpu.memory_space<vmem>>, vector<16xf32>,
      %get3A_156 = arith.constant 2 : i32
      %get3A_157 = arith.constant 1 : i32
      %get3A_158 = arith.index_cast %get3A_156 : i32 to index
      %get3A_159 = arith.index_cast %get3A_157 : i32 to index
      %get3A_160 = arith.index_cast %mul3A_46 : i32 to index
      %get3A_161 = tpu.vector_load %arg6[%get3A_158, %get3A_159, %get3A_160] {strides = array<i32>} : memref<3x8x256xi32, #tpu.memory_space<vmem>>, vector<16xi32>,
      %convert_element_type3A_162 = arith.sitofp %get3A_161 : vector<16xi32> to vector<16xf32>
      %mul3A_163 = arith.constant 105.263161 : f32
      %mul3A_164 = vector.broadcast %mul3A_163 : f32 to vector<16xf32>
      %mul3A_165 = arith.mulf %convert_element_type3A_162, %mul3A_164 : vector<16xf32>
      %add3A_166 = arith.constant 0.000000e+00 : f32
      %add3A_167 = vector.broadcast %add3A_166 : f32 to vector<16xf32>
      %add3A_168 = arith.addf %mul3A_165, %add3A_167 : vector<16xf32>
      %swap3A_169 = arith.constant 2 : i32
      %swap3A_170 = arith.constant 1 : i32
      %swap3A_171 = arith.index_cast %swap3A_169 : i32 to index
      %swap3A_172 = arith.index_cast %swap3A_170 : i32 to index
      %swap3A_173 = arith.index_cast %mul3A_46 : i32 to index
      %swap3A_174 = tpu.vector_load %arg9[%swap3A_171, %swap3A_172, %swap3A_173] {strides = array<i32>} : memref<4x8x256xf32, #tpu.memory_space<vmem>>, vector<16xf32>,
      tpu.vector_store %arg9[%swap3A_171, %swap3A_172, %swap3A_173], %add3A_168 {strides = array<i32>} : memref<4x8x256xf32, #tpu.memory_space<vmem>>, vector<16xf32>,
      %get3A_175 = arith.constant 1 : i32
      %get3A_176 = arith.index_cast %get3A_175 : i32 to index
      %get3A_177 = arith.index_cast %mul3A_46 : i32 to index
      %get3A_178 = tpu.vector_load %arg7[%get3A_176, %get3A_177] {strides = array<i32>} : memref<8x256xf32, #tpu.memory_space<vmem>>, vector<16xf32>,
      %gt3A_179 = arith.constant 3.000000e-01 : f32
      %gt3A_180 = vector.broadcast %gt3A_179 : f32 to vector<16xf32>
      %gt3A_181 = arith.cmpf ogt, %get3A_178, %gt3A_180 : vector<16xf32>
      %convert_element_type3A_182 = arith.extui %gt3A_181 : vector<16xi1> to vector<16xi32>
      %convert_element_type3A_183 = arith.sitofp %convert_element_type3A_182 : vector<16xi32> to vector<16xf32>
      %sub3A_184 = arith.constant 1.000000e+00 : f32
      %sub3A_185 = vector.broadcast %sub3A_184 : f32 to vector<16xf32>
      %sub3A_186 = arith.subf %convert_element_type3A_183, %sub3A_185 : vector<16xf32>
      %swap3A_187 = arith.constant 3 : i32
      %swap3A_188 = arith.constant 1 : i32
      %swap3A_189 = arith.index_cast %swap3A_187 : i32 to index
      %swap3A_190 = arith.index_cast %swap3A_188 : i32 to index
      %swap3A_191 = arith.index_cast %mul3A_46 : i32 to index
      %swap3A_192 = tpu.vector_load %arg9[%swap3A_189, %swap3A_190, %swap3A_191] {strides = array<i32>} : memref<4x8x256xf32, #tpu.memory_space<vmem>>, vector<16xf32>,
      tpu.vector_store %arg9[%swap3A_189, %swap3A_190, %swap3A_191], %sub3A_186 {strides = array<i32>} : memref<4x8x256xf32, #tpu.memory_space<vmem>>, vector<16xf32>,
      %get3A_193 = arith.constant 0 : i32
      %get3A_194 = arith.constant 2 : i32
      %get3A_195 = arith.index_cast %get3A_193 : i32 to index
      %get3A_196 = arith.index_cast %get3A_194 : i32 to index
      %get3A_197 = arith.index_cast %mul3A_46 : i32 to index
      %get3A_198 = tpu.vector_load %arg6[%get3A_195, %get3A_196, %get3A_197] {strides = array<i32>} : memref<3x8x256xi32, #tpu.memory_space<vmem>>, vector<16xi32>,
      %convert_element_type3A_199 = arith.sitofp %get3A_198 : vector<16xi32> to vector<16xf32>
      %mul3A_200 = arith.constant 101.265823 : f32
      %mul3A_201 = vector.broadcast %mul3A_200 : f32 to vector<16xf32>
      %mul3A_202 = arith.mulf %convert_element_type3A_199, %mul3A_201 : vector<16xf32>
      %add3A_203 = arith.constant -4.000000e+03 : f32
      %add3A_204 = vector.broadcast %add3A_203 : f32 to vector<16xf32>
      %add3A_205 = arith.addf %mul3A_202, %add3A_204 : vector<16xf32>
      %swap3A_206 = arith.constant 0 : i32
      %swap3A_207 = arith.constant 2 : i32
      %swap3A_208 = arith.index_cast %swap3A_206 : i32 to index
      %swap3A_209 = arith.index_cast %swap3A_207 : i32 to index
      %swap3A_210 = arith.index_cast %mul3A_46 : i32 to index
      %swap3A_211 = tpu.vector_load %arg9[%swap3A_208, %swap3A_209, %swap3A_210] {strides = array<i32>} : memref<4x8x256xf32, #tpu.memory_space<vmem>>, vector<16xf32>,
      tpu.vector_store %arg9[%swap3A_208, %swap3A_209, %swap3A_210], %add3A_205 {strides = array<i32>} : memref<4x8x256xf32, #tpu.memory_space<vmem>>, vector<16xf32>,
      %get3A_212 = arith.constant 1 : i32
      %get3A_213 = arith.constant 2 : i32
      %get3A_214 = arith.index_cast %get3A_212 : i32 to index
      %get3A_215 = arith.index_cast %get3A_213 : i32 to index
      %get3A_216 = arith.index_cast %mul3A_46 : i32 to index
      %get3A_217 = tpu.vector_load %arg6[%get3A_214, %get3A_215, %get3A_216] {strides = array<i32>} : memref<3x8x256xi32, #tpu.memory_space<vmem>>, vector<16xi32>,
      %convert_element_type3A_218 = arith.sitofp %get3A_217 : vector<16xi32> to vector<16xf32>
      %mul3A_219 = arith.constant 101.265823 : f32
      %mul3A_220 = vector.broadcast %mul3A_219 : f32 to vector<16xf32>
      %mul3A_221 = arith.mulf %convert_element_type3A_218, %mul3A_220 : vector<16xf32>
      %add3A_222 = arith.constant -4.000000e+03 : f32
      %add3A_223 = vector.broadcast %add3A_222 : f32 to vector<16xf32>
      %add3A_224 = arith.addf %mul3A_221, %add3A_223 : vector<16xf32>
      %swap3A_225 = arith.constant 1 : i32
      %swap3A_226 = arith.constant 2 : i32
      %swap3A_227 = arith.index_cast %swap3A_225 : i32 to index
      %swap3A_228 = arith.index_cast %swap3A_226 : i32 to index
      %swap3A_229 = arith.index_cast %mul3A_46 : i32 to index
      %swap3A_230 = tpu.vector_load %arg9[%swap3A_227, %swap3A_228, %swap3A_229] {strides = array<i32>} : memref<4x8x256xf32, #tpu.memory_space<vmem>>, vector<16xf32>,
      tpu.vector_store %arg9[%swap3A_227, %swap3A_228, %swap3A_229], %add3A_224 {strides = array<i32>} : memref<4x8x256xf32, #tpu.memory_space<vmem>>, vector<16xf32>,
      %get3A_231 = arith.constant 2 : i32
      %get3A_232 = arith.constant 2 : i32
      %get3A_233 = arith.index_cast %get3A_231 : i32 to index
      %get3A_234 = arith.index_cast %get3A_232 : i32 to index
      %get3A_235 = arith.index_cast %mul3A_46 : i32 to index
      %get3A_236 = tpu.vector_load %arg6[%get3A_233, %get3A_234, %get3A_235] {strides = array<i32>} : memref<3x8x256xi32, #tpu.memory_space<vmem>>, vector<16xi32>,
      %convert_element_type3A_237 = arith.sitofp %get3A_236 : vector<16xi32> to vector<16xf32>
      %mul3A_238 = arith.constant 105.263161 : f32
      %mul3A_239 = vector.broadcast %mul3A_238 : f32 to vector<16xf32>
      %mul3A_240 = arith.mulf %convert_element_type3A_237, %mul3A_239 : vector<16xf32>
      %add3A_241 = arith.constant 0.000000e+00 : f32
      %add3A_242 = vector.broadcast %add3A_241 : f32 to vector<16xf32>
      %add3A_243 = arith.addf %mul3A_240, %add3A_242 : vector<16xf32>
      %swap3A_244 = arith.constant 2 : i32
      %swap3A_245 = arith.constant 2 : i32
      %swap3A_246 = arith.index_cast %swap3A_244 : i32 to index
      %swap3A_247 = arith.index_cast %swap3A_245 : i32 to index
      %swap3A_248 = arith.index_cast %mul3A_46 : i32 to index
      %swap3A_249 = tpu.vector_load %arg9[%swap3A_246, %swap3A_247, %swap3A_248] {strides = array<i32>} : memref<4x8x256xf32, #tpu.memory_space<vmem>>, vector<16xf32>,
      tpu.vector_store %arg9[%swap3A_246, %swap3A_247, %swap3A_248], %add3A_243 {strides = array<i32>} : memref<4x8x256xf32, #tpu.memory_space<vmem>>, vector<16xf32>,
      %get3A_250 = arith.constant 2 : i32
      %get3A_251 = arith.index_cast %get3A_250 : i32 to index
      %get3A_252 = arith.index_cast %mul3A_46 : i32 to index
      %get3A_253 = tpu.vector_load %arg7[%get3A_251, %get3A_252] {strides = array<i32>} : memref<8x256xf32, #tpu.memory_space<vmem>>, vector<16xf32>,
      %gt3A_254 = arith.constant 3.000000e-01 : f32
      %gt3A_255 = vector.broadcast %gt3A_254 : f32 to vector<16xf32>
      %gt3A_256 = arith.cmpf ogt, %get3A_253, %gt3A_255 : vector<16xf32>
      %convert_element_type3A_257 = arith.extui %gt3A_256 : vector<16xi1> to vector<16xi32>
      %convert_element_type3A_258 = arith.sitofp %convert_element_type3A_257 : vector<16xi32> to vector<16xf32>
      %sub3A_259 = arith.constant 1.000000e+00 : f32
      %sub3A_260 = vector.broadcast %sub3A_259 : f32 to vector<16xf32>
      %sub3A_261 = arith.subf %convert_element_type3A_258, %sub3A_260 : vector<16xf32>
      %swap3A_262 = arith.constant 3 : i32
      %swap3A_263 = arith.constant 2 : i32
      %swap3A_264 = arith.index_cast %swap3A_262 : i32 to index
      %swap3A_265 = arith.index_cast %swap3A_263 : i32 to index
      %swap3A_266 = arith.index_cast %mul3A_46 : i32 to index
      %swap3A_267 = tpu.vector_load %arg9[%swap3A_264, %swap3A_265, %swap3A_266] {strides = array<i32>} : memref<4x8x256xf32, #tpu.memory_space<vmem>>, vector<16xf32>,
      tpu.vector_store %arg9[%swap3A_264, %swap3A_265, %swap3A_266], %sub3A_261 {strides = array<i32>} : memref<4x8x256xf32, #tpu.memory_space<vmem>>, vector<16xf32>,
      %get3A_268 = arith.constant 0 : i32
      %get3A_269 = arith.constant 3 : i32
      %get3A_270 = arith.index_cast %get3A_268 : i32 to index
      %get3A_271 = arith.index_cast %get3A_269 : i32 to index
      %get3A_272 = arith.index_cast %mul3A_46 : i32 to index
      %get3A_273 = tpu.vector_load %arg6[%get3A_270, %get3A_271, %get3A_272] {strides = array<i32>} : memref<3x8x256xi32, #tpu.memory_space<vmem>>, vector<16xi32>,
      %convert_element_type3A_274 = arith.sitofp %get3A_273 : vector<16xi32> to vector<16xf32>
      %mul3A_275 = arith.constant 101.265823 : f32
      %mul3A_276 = vector.broadcast %mul3A_275 : f32 to vector<16xf32>
      %mul3A_277 = arith.mulf %convert_element_type3A_274, %mul3A_276 : vector<16xf32>
      %add3A_278 = arith.constant -4.000000e+03 : f32
      %add3A_279 = vector.broadcast %add3A_278 : f32 to vector<16xf32>
      %add3A_280 = arith.addf %mul3A_277, %add3A_279 : vector<16xf32>
      %swap3A_281 = arith.constant 0 : i32
      %swap3A_282 = arith.constant 3 : i32
      %swap3A_283 = arith.index_cast %swap3A_281 : i32 to index
      %swap3A_284 = arith.index_cast %swap3A_282 : i32 to index
      %swap3A_285 = arith.index_cast %mul3A_46 : i32 to index
      %swap3A_286 = tpu.vector_load %arg9[%swap3A_283, %swap3A_284, %swap3A_285] {strides = array<i32>} : memref<4x8x256xf32, #tpu.memory_space<vmem>>, vector<16xf32>,
      tpu.vector_store %arg9[%swap3A_283, %swap3A_284, %swap3A_285], %add3A_280 {strides = array<i32>} : memref<4x8x256xf32, #tpu.memory_space<vmem>>, vector<16xf32>,
      %get3A_287 = arith.constant 1 : i32
      %get3A_288 = arith.constant 3 : i32
      %get3A_289 = arith.index_cast %get3A_287 : i32 to index
      %get3A_290 = arith.index_cast %get3A_288 : i32 to index
      %get3A_291 = arith.index_cast %mul3A_46 : i32 to index
      %get3A_292 = tpu.vector_load %arg6[%get3A_289, %get3A_290, %get3A_291] {strides = array<i32>} : memref<3x8x256xi32, #tpu.memory_space<vmem>>, vector<16xi32>,
      %convert_element_type3A_293 = arith.sitofp %get3A_292 : vector<16xi32> to vector<16xf32>
      %mul3A_294 = arith.constant 101.265823 : f32
      %mul3A_295 = vector.broadcast %mul3A_294 : f32 to vector<16xf32>
      %mul3A_296 = arith.mulf %convert_element_type3A_293, %mul3A_295 : vector<16xf32>
      %add3A_297 = arith.constant -4.000000e+03 : f32
      %add3A_298 = vector.broadcast %add3A_297 : f32 to vector<16xf32>
      %add3A_299 = arith.addf %mul3A_296, %add3A_298 : vector<16xf32>
      %swap3A_300 = arith.constant 1 : i32
      %swap3A_301 = arith.constant 3 : i32
      %swap3A_302 = arith.index_cast %swap3A_300 : i32 to index
      %swap3A_303 = arith.index_cast %swap3A_301 : i32 to index
      %swap3A_304 = arith.index_cast %mul3A_46 : i32 to index
      %swap3A_305 = tpu.vector_load %arg9[%swap3A_302, %swap3A_303, %swap3A_304] {strides = array<i32>} : memref<4x8x256xf32, #tpu.memory_space<vmem>>, vector<16xf32>,
      tpu.vector_store %arg9[%swap3A_302, %swap3A_303, %swap3A_304], %add3A_299 {strides = array<i32>} : memref<4x8x256xf32, #tpu.memory_space<vmem>>, vector<16xf32>,
      %get3A_306 = arith.constant 2 : i32
      %get3A_307 = arith.constant 3 : i32
      %get3A_308 = arith.index_cast %get3A_306 : i32 to index
      %get3A_309 = arith.index_cast %get3A_307 : i32 to index
      %get3A_310 = arith.index_cast %mul3A_46 : i32 to index
      %get3A_311 = tpu.vector_load %arg6[%get3A_308, %get3A_309, %get3A_310] {strides = array<i32>} : memref<3x8x256xi32, #tpu.memory_space<vmem>>, vector<16xi32>,
      %convert_element_type3A_312 = arith.sitofp %get3A_311 : vector<16xi32> to vector<16xf32>
      %mul3A_313 = arith.constant 105.263161 : f32
      %mul3A_314 = vector.broadcast %mul3A_313 : f32 to vector<16xf32>
      %mul3A_315 = arith.mulf %convert_element_type3A_312, %mul3A_314 : vector<16xf32>
      %add3A_316 = arith.constant 0.000000e+00 : f32
      %add3A_317 = vector.broadcast %add3A_316 : f32 to vector<16xf32>
      %add3A_318 = arith.addf %mul3A_315, %add3A_317 : vector<16xf32>
      %swap3A_319 = arith.constant 2 : i32
      %swap3A_320 = arith.constant 3 : i32
      %swap3A_321 = arith.index_cast %swap3A_319 : i32 to index
      %swap3A_322 = arith.index_cast %swap3A_320 : i32 to index
      %swap3A_323 = arith.index_cast %mul3A_46 : i32 to index
      %swap3A_324 = tpu.vector_load %arg9[%swap3A_321, %swap3A_322, %swap3A_323] {strides = array<i32>} : memref<4x8x256xf32, #tpu.memory_space<vmem>>, vector<16xf32>,
      tpu.vector_store %arg9[%swap3A_321, %swap3A_322, %swap3A_323], %add3A_318 {strides = array<i32>} : memref<4x8x256xf32, #tpu.memory_space<vmem>>, vector<16xf32>,
      %get3A_325 = arith.constant 3 : i32
      %get3A_326 = arith.index_cast %get3A_325 : i32 to index
      %get3A_327 = arith.index_cast %mul3A_46 : i32 to index
      %get3A_328 = tpu.vector_load %arg7[%get3A_326, %get3A_327] {strides = array<i32>} : memref<8x256xf32, #tpu.memory_space<vmem>>, vector<16xf32>,
      %gt3A_329 = arith.constant 3.000000e-01 : f32
      %gt3A_330 = vector.broadcast %gt3A_329 : f32 to vector<16xf32>
      %gt3A_331 = arith.cmpf ogt, %get3A_328, %gt3A_330 : vector<16xf32>
      %convert_element_type3A_332 = arith.extui %gt3A_331 : vector<16xi1> to vector<16xi32>
      %convert_element_type3A_333 = arith.sitofp %convert_element_type3A_332 : vector<16xi32> to vector<16xf32>
      %sub3A_334 = arith.constant 1.000000e+00 : f32
      %sub3A_335 = vector.broadcast %sub3A_334 : f32 to vector<16xf32>
      %sub3A_336 = arith.subf %convert_element_type3A_333, %sub3A_335 : vector<16xf32>
      %swap3A_337 = arith.constant 3 : i32
      %swap3A_338 = arith.constant 3 : i32
      %swap3A_339 = arith.index_cast %swap3A_337 : i32 to index
      %swap3A_340 = arith.index_cast %swap3A_338 : i32 to index
      %swap3A_341 = arith.index_cast %mul3A_46 : i32 to index
      %swap3A_342 = tpu.vector_load %arg9[%swap3A_339, %swap3A_340, %swap3A_341] {strides = array<i32>} : memref<4x8x256xf32, #tpu.memory_space<vmem>>, vector<16xf32>,
      tpu.vector_store %arg9[%swap3A_339, %swap3A_340, %swap3A_341], %sub3A_336 {strides = array<i32>} : memref<4x8x256xf32, #tpu.memory_space<vmem>>, vector<16xf32>,
      %get3A_343 = arith.constant 0 : i32
      %get3A_344 = arith.constant 4 : i32
      %get3A_345 = arith.index_cast %get3A_343 : i32 to index
      %get3A_346 = arith.index_cast %get3A_344 : i32 to index
      %get3A_347 = arith.index_cast %mul3A_46 : i32 to index
      %get3A_348 = tpu.vector_load %arg6[%get3A_345, %get3A_346, %get3A_347] {strides = array<i32>} : memref<3x8x256xi32, #tpu.memory_space<vmem>>, vector<16xi32>,
      %convert_element_type3A_349 = arith.sitofp %get3A_348 : vector<16xi32> to vector<16xf32>
      %mul3A_350 = arith.constant 101.265823 : f32
      %mul3A_351 = vector.broadcast %mul3A_350 : f32 to vector<16xf32>
      %mul3A_352 = arith.mulf %convert_element_type3A_349, %mul3A_351 : vector<16xf32>
      %add3A_353 = arith.constant -4.000000e+03 : f32
      %add3A_354 = vector.broadcast %add3A_353 : f32 to vector<16xf32>
      %add3A_355 = arith.addf %mul3A_352, %add3A_354 : vector<16xf32>
      %swap3A_356 = arith.constant 0 : i32
      %swap3A_357 = arith.constant 4 : i32
      %swap3A_358 = arith.index_cast %swap3A_356 : i32 to index
      %swap3A_359 = arith.index_cast %swap3A_357 : i32 to index
      %swap3A_360 = arith.index_cast %mul3A_46 : i32 to index
      %swap3A_361 = tpu.vector_load %arg9[%swap3A_358, %swap3A_359, %swap3A_360] {strides = array<i32>} : memref<4x8x256xf32, #tpu.memory_space<vmem>>, vector<16xf32>,
      tpu.vector_store %arg9[%swap3A_358, %swap3A_359, %swap3A_360], %add3A_355 {strides = array<i32>} : memref<4x8x256xf32, #tpu.memory_space<vmem>>, vector<16xf32>,
      %get3A_362 = arith.constant 1 : i32
      %get3A_363 = arith.constant 4 : i32
      %get3A_364 = arith.index_cast %get3A_362 : i32 to index
      %get3A_365 = arith.index_cast %get3A_363 : i32 to index
      %get3A_366 = arith.index_cast %mul3A_46 : i32 to index
      %get3A_367 = tpu.vector_load %arg6[%get3A_364, %get3A_365, %get3A_366] {strides = array<i32>} : memref<3x8x256xi32, #tpu.memory_space<vmem>>, vector<16xi32>,
      %convert_element_type3A_368 = arith.sitofp %get3A_367 : vector<16xi32> to vector<16xf32>
      %mul3A_369 = arith.constant 101.265823 : f32
      %mul3A_370 = vector.broadcast %mul3A_369 : f32 to vector<16xf32>
      %mul3A_371 = arith.mulf %convert_element_type3A_368, %mul3A_370 : vector<16xf32>
      %add3A_372 = arith.constant -4.000000e+03 : f32
      %add3A_373 = vector.broadcast %add3A_372 : f32 to vector<16xf32>
      %add3A_374 = arith.addf %mul3A_371, %add3A_373 : vector<16xf32>
      %swap3A_375 = arith.constant 1 : i32
      %swap3A_376 = arith.constant 4 : i32
      %swap3A_377 = arith.index_cast %swap3A_375 : i32 to index
      %swap3A_378 = arith.index_cast %swap3A_376 : i32 to index
      %swap3A_379 = arith.index_cast %mul3A_46 : i32 to index
      %swap3A_380 = tpu.vector_load %arg9[%swap3A_377, %swap3A_378, %swap3A_379] {strides = array<i32>} : memref<4x8x256xf32, #tpu.memory_space<vmem>>, vector<16xf32>,
      tpu.vector_store %arg9[%swap3A_377, %swap3A_378, %swap3A_379], %add3A_374 {strides = array<i32>} : memref<4x8x256xf32, #tpu.memory_space<vmem>>, vector<16xf32>,
      %get3A_381 = arith.constant 2 : i32
      %get3A_382 = arith.constant 4 : i32
      %get3A_383 = arith.index_cast %get3A_381 : i32 to index
      %get3A_384 = arith.index_cast %get3A_382 : i32 to index
      %get3A_385 = arith.index_cast %mul3A_46 : i32 to index
      %get3A_386 = tpu.vector_load %arg6[%get3A_383, %get3A_384, %get3A_385] {strides = array<i32>} : memref<3x8x256xi32, #tpu.memory_space<vmem>>, vector<16xi32>,
      %convert_element_type3A_387 = arith.sitofp %get3A_386 : vector<16xi32> to vector<16xf32>
      %mul3A_388 = arith.constant 105.263161 : f32
      %mul3A_389 = vector.broadcast %mul3A_388 : f32 to vector<16xf32>
      %mul3A_390 = arith.mulf %convert_element_type3A_387, %mul3A_389 : vector<16xf32>
      %add3A_391 = arith.constant 0.000000e+00 : f32
      %add3A_392 = vector.broadcast %add3A_391 : f32 to vector<16xf32>
      %add3A_393 = arith.addf %mul3A_390, %add3A_392 : vector<16xf32>
      %swap3A_394 = arith.constant 2 : i32
      %swap3A_395 = arith.constant 4 : i32
      %swap3A_396 = arith.index_cast %swap3A_394 : i32 to index
      %swap3A_397 = arith.index_cast %swap3A_395 : i32 to index
      %swap3A_398 = arith.index_cast %mul3A_46 : i32 to index
      %swap3A_399 = tpu.vector_load %arg9[%swap3A_396, %swap3A_397, %swap3A_398] {strides = array<i32>} : memref<4x8x256xf32, #tpu.memory_space<vmem>>, vector<16xf32>,
      tpu.vector_store %arg9[%swap3A_396, %swap3A_397, %swap3A_398], %add3A_393 {strides = array<i32>} : memref<4x8x256xf32, #tpu.memory_space<vmem>>, vector<16xf32>,
      %get3A_400 = arith.constant 4 : i32
      %get3A_401 = arith.index_cast %get3A_400 : i32 to index
      %get3A_402 = arith.index_cast %mul3A_46 : i32 to index
      %get3A_403 = tpu.vector_load %arg7[%get3A_401, %get3A_402] {strides = array<i32>} : memref<8x256xf32, #tpu.memory_space<vmem>>, vector<16xf32>,
      %gt3A_404 = arith.constant 3.000000e-01 : f32
      %gt3A_405 = vector.broadcast %gt3A_404 : f32 to vector<16xf32>
      %gt3A_406 = arith.cmpf ogt, %get3A_403, %gt3A_405 : vector<16xf32>
      %convert_element_type3A_407 = arith.extui %gt3A_406 : vector<16xi1> to vector<16xi32>
      %convert_element_type3A_408 = arith.sitofp %convert_element_type3A_407 : vector<16xi32> to vector<16xf32>
      %sub3A_409 = arith.constant 1.000000e+00 : f32
      %sub3A_410 = vector.broadcast %sub3A_409 : f32 to vector<16xf32>
      %sub3A_411 = arith.subf %convert_element_type3A_408, %sub3A_410 : vector<16xf32>
      %swap3A_412 = arith.constant 3 : i32
      %swap3A_413 = arith.constant 4 : i32
      %swap3A_414 = arith.index_cast %swap3A_412 : i32 to index
      %swap3A_415 = arith.index_cast %swap3A_413 : i32 to index
      %swap3A_416 = arith.index_cast %mul3A_46 : i32 to index
      %swap3A_417 = tpu.vector_load %arg9[%swap3A_414, %swap3A_415, %swap3A_416] {strides = array<i32>} : memref<4x8x256xf32, #tpu.memory_space<vmem>>, vector<16xf32>,
      tpu.vector_store %arg9[%swap3A_414, %swap3A_415, %swap3A_416], %sub3A_411 {strides = array<i32>} : memref<4x8x256xf32, #tpu.memory_space<vmem>>, vector<16xf32>,
      %get3A_418 = arith.constant 0 : i32
      %get3A_419 = arith.constant 5 : i32
      %get3A_420 = arith.index_cast %get3A_418 : i32 to index
      %get3A_421 = arith.index_cast %get3A_419 : i32 to index
      %get3A_422 = arith.index_cast %mul3A_46 : i32 to index
      %get3A_423 = tpu.vector_load %arg6[%get3A_420, %get3A_421, %get3A_422] {strides = array<i32>} : memref<3x8x256xi32, #tpu.memory_space<vmem>>, vector<16xi32>,
      %convert_element_type3A_424 = arith.sitofp %get3A_423 : vector<16xi32> to vector<16xf32>
      %mul3A_425 = arith.constant 101.265823 : f32
      %mul3A_426 = vector.broadcast %mul3A_425 : f32 to vector<16xf32>
      %mul3A_427 = arith.mulf %convert_element_type3A_424, %mul3A_426 : vector<16xf32>
      %add3A_428 = arith.constant -4.000000e+03 : f32
      %add3A_429 = vector.broadcast %add3A_428 : f32 to vector<16xf32>
      %add3A_430 = arith.addf %mul3A_427, %add3A_429 : vector<16xf32>
      %swap3A_431 = arith.constant 0 : i32
      %swap3A_432 = arith.constant 5 : i32
      %swap3A_433 = arith.index_cast %swap3A_431 : i32 to index
      %swap3A_434 = arith.index_cast %swap3A_432 : i32 to index
      %swap3A_435 = arith.index_cast %mul3A_46 : i32 to index
      %swap3A_436 = tpu.vector_load %arg9[%swap3A_433, %swap3A_434, %swap3A_435] {strides = array<i32>} : memref<4x8x256xf32, #tpu.memory_space<vmem>>, vector<16xf32>,
      tpu.vector_store %arg9[%swap3A_433, %swap3A_434, %swap3A_435], %add3A_430 {strides = array<i32>} : memref<4x8x256xf32, #tpu.memory_space<vmem>>, vector<16xf32>,
      %get3A_437 = arith.constant 1 : i32
      %get3A_438 = arith.constant 5 : i32
      %get3A_439 = arith.index_cast %get3A_437 : i32 to index
      %get3A_440 = arith.index_cast %get3A_438 : i32 to index
      %get3A_441 = arith.index_cast %mul3A_46 : i32 to index
      %get3A_442 = tpu.vector_load %arg6[%get3A_439, %get3A_440, %get3A_441] {strides = array<i32>} : memref<3x8x256xi32, #tpu.memory_space<vmem>>, vector<16xi32>,
      %convert_element_type3A_443 = arith.sitofp %get3A_442 : vector<16xi32> to vector<16xf32>
      %mul3A_444 = arith.constant 101.265823 : f32
      %mul3A_445 = vector.broadcast %mul3A_444 : f32 to vector<16xf32>
      %mul3A_446 = arith.mulf %convert_element_type3A_443, %mul3A_445 : vector<16xf32>
      %add3A_447 = arith.constant -4.000000e+03 : f32
      %add3A_448 = vector.broadcast %add3A_447 : f32 to vector<16xf32>
      %add3A_449 = arith.addf %mul3A_446, %add3A_448 : vector<16xf32>
      %swap3A_450 = arith.constant 1 : i32
      %swap3A_451 = arith.constant 5 : i32
      %swap3A_452 = arith.index_cast %swap3A_450 : i32 to index
      %swap3A_453 = arith.index_cast %swap3A_451 : i32 to index
      %swap3A_454 = arith.index_cast %mul3A_46 : i32 to index
      %swap3A_455 = tpu.vector_load %arg9[%swap3A_452, %swap3A_453, %swap3A_454] {strides = array<i32>} : memref<4x8x256xf32, #tpu.memory_space<vmem>>, vector<16xf32>,
      tpu.vector_store %arg9[%swap3A_452, %swap3A_453, %swap3A_454], %add3A_449 {strides = array<i32>} : memref<4x8x256xf32, #tpu.memory_space<vmem>>, vector<16xf32>,
      %get3A_456 = arith.constant 2 : i32
      %get3A_457 = arith.constant 5 : i32
      %get3A_458 = arith.index_cast %get3A_456 : i32 to index
      %get3A_459 = arith.index_cast %get3A_457 : i32 to index
      %get3A_460 = arith.index_cast %mul3A_46 : i32 to index
      %get3A_461 = tpu.vector_load %arg6[%get3A_458, %get3A_459, %get3A_460] {strides = array<i32>} : memref<3x8x256xi32, #tpu.memory_space<vmem>>, vector<16xi32>,
      %convert_element_type3A_462 = arith.sitofp %get3A_461 : vector<16xi32> to vector<16xf32>
      %mul3A_463 = arith.constant 105.263161 : f32
      %mul3A_464 = vector.broadcast %mul3A_463 : f32 to vector<16xf32>
      %mul3A_465 = arith.mulf %convert_element_type3A_462, %mul3A_464 : vector<16xf32>
      %add3A_466 = arith.constant 0.000000e+00 : f32
      %add3A_467 = vector.broadcast %add3A_466 : f32 to vector<16xf32>
      %add3A_468 = arith.addf %mul3A_465, %add3A_467 : vector<16xf32>
      %swap3A_469 = arith.constant 2 : i32
      %swap3A_470 = arith.constant 5 : i32
      %swap3A_471 = arith.index_cast %swap3A_469 : i32 to index
      %swap3A_472 = arith.index_cast %swap3A_470 : i32 to index
      %swap3A_473 = arith.index_cast %mul3A_46 : i32 to index
      %swap3A_474 = tpu.vector_load %arg9[%swap3A_471, %swap3A_472, %swap3A_473] {strides = array<i32>} : memref<4x8x256xf32, #tpu.memory_space<vmem>>, vector<16xf32>,
      tpu.vector_store %arg9[%swap3A_471, %swap3A_472, %swap3A_473], %add3A_468 {strides = array<i32>} : memref<4x8x256xf32, #tpu.memory_space<vmem>>, vector<16xf32>,
      %get3A_475 = arith.constant 5 : i32
      %get3A_476 = arith.index_cast %get3A_475 : i32 to index
      %get3A_477 = arith.index_cast %mul3A_46 : i32 to index
      %get3A_478 = tpu.vector_load %arg7[%get3A_476, %get3A_477] {strides = array<i32>} : memref<8x256xf32, #tpu.memory_space<vmem>>, vector<16xf32>,
      %gt3A_479 = arith.constant 3.000000e-01 : f32
      %gt3A_480 = vector.broadcast %gt3A_479 : f32 to vector<16xf32>
      %gt3A_481 = arith.cmpf ogt, %get3A_478, %gt3A_480 : vector<16xf32>
      %convert_element_type3A_482 = arith.extui %gt3A_481 : vector<16xi1> to vector<16xi32>
      %convert_element_type3A_483 = arith.sitofp %convert_element_type3A_482 : vector<16xi32> to vector<16xf32>
      %sub3A_484 = arith.constant 1.000000e+00 : f32
      %sub3A_485 = vector.broadcast %sub3A_484 : f32 to vector<16xf32>
      %sub3A_486 = arith.subf %convert_element_type3A_483, %sub3A_485 : vector<16xf32>
      %swap3A_487 = arith.constant 3 : i32
      %swap3A_488 = arith.constant 5 : i32
      %swap3A_489 = arith.index_cast %swap3A_487 : i32 to index
      %swap3A_490 = arith.index_cast %swap3A_488 : i32 to index
      %swap3A_491 = arith.index_cast %mul3A_46 : i32 to index
      %swap3A_492 = tpu.vector_load %arg9[%swap3A_489, %swap3A_490, %swap3A_491] {strides = array<i32>} : memref<4x8x256xf32, #tpu.memory_space<vmem>>, vector<16xf32>,
      tpu.vector_store %arg9[%swap3A_489, %swap3A_490, %swap3A_491], %sub3A_486 {strides = array<i32>} : memref<4x8x256xf32, #tpu.memory_space<vmem>>, vector<16xf32>,
      %get3A_493 = arith.constant 0 : i32
      %get3A_494 = arith.constant 6 : i32
      %get3A_495 = arith.index_cast %get3A_493 : i32 to index
      %get3A_496 = arith.index_cast %get3A_494 : i32 to index
      %get3A_497 = arith.index_cast %mul3A_46 : i32 to index
      %get3A_498 = tpu.vector_load %arg6[%get3A_495, %get3A_496, %get3A_497] {strides = array<i32>} : memref<3x8x256xi32, #tpu.memory_space<vmem>>, vector<16xi32>,
      %convert_element_type3A_499 = arith.sitofp %get3A_498 : vector<16xi32> to vector<16xf32>
      %mul3A_500 = arith.constant 101.265823 : f32
      %mul3A_501 = vector.broadcast %mul3A_500 : f32 to vector<16xf32>
      %mul3A_502 = arith.mulf %convert_element_type3A_499, %mul3A_501 : vector<16xf32>
      %add3A_503 = arith.constant -4.000000e+03 : f32
      %add3A_504 = vector.broadcast %add3A_503 : f32 to vector<16xf32>
      %add3A_505 = arith.addf %mul3A_502, %add3A_504 : vector<16xf32>
      %swap3A_506 = arith.constant 0 : i32
      %swap3A_507 = arith.constant 6 : i32
      %swap3A_508 = arith.index_cast %swap3A_506 : i32 to index
      %swap3A_509 = arith.index_cast %swap3A_507 : i32 to index
      %swap3A_510 = arith.index_cast %mul3A_46 : i32 to index
      %swap3A_511 = tpu.vector_load %arg9[%swap3A_508, %swap3A_509, %swap3A_510] {strides = array<i32>} : memref<4x8x256xf32, #tpu.memory_space<vmem>>, vector<16xf32>,
      tpu.vector_store %arg9[%swap3A_508, %swap3A_509, %swap3A_510], %add3A_505 {strides = array<i32>} : memref<4x8x256xf32, #tpu.memory_space<vmem>>, vector<16xf32>,
      %get3A_512 = arith.constant 1 : i32
      %get3A_513 = arith.constant 6 : i32
      %get3A_514 = arith.index_cast %get3A_512 : i32 to index
      %get3A_515 = arith.index_cast %get3A_513 : i32 to index
      %get3A_516 = arith.index_cast %mul3A_46 : i32 to index
      %get3A_517 = tpu.vector_load %arg6[%get3A_514, %get3A_515, %get3A_516] {strides = array<i32>} : memref<3x8x256xi32, #tpu.memory_space<vmem>>, vector<16xi32>,
      %convert_element_type3A_518 = arith.sitofp %get3A_517 : vector<16xi32> to vector<16xf32>
      %mul3A_519 = arith.constant 101.265823 : f32
      %mul3A_520 = vector.broadcast %mul3A_519 : f32 to vector<16xf32>
      %mul3A_521 = arith.mulf %convert_element_type3A_518, %mul3A_520 : vector<16xf32>
      %add3A_522 = arith.constant -4.000000e+03 : f32
      %add3A_523 = vector.broadcast %add3A_522 : f32 to vector<16xf32>
      %add3A_524 = arith.addf %mul3A_521, %add3A_523 : vector<16xf32>
      %swap3A_525 = arith.constant 1 : i32
      %swap3A_526 = arith.constant 6 : i32
      %swap3A_527 = arith.index_cast %swap3A_525 : i32 to index
      %swap3A_528 = arith.index_cast %swap3A_526 : i32 to index
      %swap3A_529 = arith.index_cast %mul3A_46 : i32 to index
      %swap3A_530 = tpu.vector_load %arg9[%swap3A_527, %swap3A_528, %swap3A_529] {strides = array<i32>} : memref<4x8x256xf32, #tpu.memory_space<vmem>>, vector<16xf32>,
      tpu.vector_store %arg9[%swap3A_527, %swap3A_528, %swap3A_529], %add3A_524 {strides = array<i32>} : memref<4x8x256xf32, #tpu.memory_space<vmem>>, vector<16xf32>,
      %get3A_531 = arith.constant 2 : i32
      %get3A_532 = arith.constant 6 : i32
      %get3A_533 = arith.index_cast %get3A_531 : i32 to index
      %get3A_534 = arith.index_cast %get3A_532 : i32 to index
      %get3A_535 = arith.index_cast %mul3A_46 : i32 to index
      %get3A_536 = tpu.vector_load %arg6[%get3A_533, %get3A_534, %get3A_535] {strides = array<i32>} : memref<3x8x256xi32, #tpu.memory_space<vmem>>, vector<16xi32>,
      %convert_element_type3A_537 = arith.sitofp %get3A_536 : vector<16xi32> to vector<16xf32>
      %mul3A_538 = arith.constant 105.263161 : f32
      %mul3A_539 = vector.broadcast %mul3A_538 : f32 to vector<16xf32>
      %mul3A_540 = arith.mulf %convert_element_type3A_537, %mul3A_539 : vector<16xf32>
      %add3A_541 = arith.constant 0.000000e+00 : f32
      %add3A_542 = vector.broadcast %add3A_541 : f32 to vector<16xf32>
      %add3A_543 = arith.addf %mul3A_540, %add3A_542 : vector<16xf32>
      %swap3A_544 = arith.constant 2 : i32
      %swap3A_545 = arith.constant 6 : i32
      %swap3A_546 = arith.index_cast %swap3A_544 : i32 to index
      %swap3A_547 = arith.index_cast %swap3A_545 : i32 to index
      %swap3A_548 = arith.index_cast %mul3A_46 : i32 to index
      %swap3A_549 = tpu.vector_load %arg9[%swap3A_546, %swap3A_547, %swap3A_548] {strides = array<i32>} : memref<4x8x256xf32, #tpu.memory_space<vmem>>, vector<16xf32>,
      tpu.vector_store %arg9[%swap3A_546, %swap3A_547, %swap3A_548], %add3A_543 {strides = array<i32>} : memref<4x8x256xf32, #tpu.memory_space<vmem>>, vector<16xf32>,
      %get3A_550 = arith.constant 6 : i32
      %get3A_551 = arith.index_cast %get3A_550 : i32 to index
      %get3A_552 = arith.index_cast %mul3A_46 : i32 to index
      %get3A_553 = tpu.vector_load %arg7[%get3A_551, %get3A_552] {strides = array<i32>} : memref<8x256xf32, #tpu.memory_space<vmem>>, vector<16xf32>,
      %gt3A_554 = arith.constant 3.000000e-01 : f32
      %gt3A_555 = vector.broadcast %gt3A_554 : f32 to vector<16xf32>
      %gt3A_556 = arith.cmpf ogt, %get3A_553, %gt3A_555 : vector<16xf32>
      %convert_element_type3A_557 = arith.extui %gt3A_556 : vector<16xi1> to vector<16xi32>
      %convert_element_type3A_558 = arith.sitofp %convert_element_type3A_557 : vector<16xi32> to vector<16xf32>
      %sub3A_559 = arith.constant 1.000000e+00 : f32
      %sub3A_560 = vector.broadcast %sub3A_559 : f32 to vector<16xf32>
      %sub3A_561 = arith.subf %convert_element_type3A_558, %sub3A_560 : vector<16xf32>
      %swap3A_562 = arith.constant 3 : i32
      %swap3A_563 = arith.constant 6 : i32
      %swap3A_564 = arith.index_cast %swap3A_562 : i32 to index
      %swap3A_565 = arith.index_cast %swap3A_563 : i32 to index
      %swap3A_566 = arith.index_cast %mul3A_46 : i32 to index
      %swap3A_567 = tpu.vector_load %arg9[%swap3A_564, %swap3A_565, %swap3A_566] {strides = array<i32>} : memref<4x8x256xf32, #tpu.memory_space<vmem>>, vector<16xf32>,
      tpu.vector_store %arg9[%swap3A_564, %swap3A_565, %swap3A_566], %sub3A_561 {strides = array<i32>} : memref<4x8x256xf32, #tpu.memory_space<vmem>>, vector<16xf32>,
      %get3A_568 = arith.constant 0 : i32
      %get3A_569 = arith.constant 7 : i32
      %get3A_570 = arith.index_cast %get3A_568 : i32 to index
      %get3A_571 = arith.index_cast %get3A_569 : i32 to index
      %get3A_572 = arith.index_cast %mul3A_46 : i32 to index
      %get3A_573 = tpu.vector_load %arg6[%get3A_570, %get3A_571, %get3A_572] {strides = array<i32>} : memref<3x8x256xi32, #tpu.memory_space<vmem>>, vector<16xi32>,
      %convert_element_type3A_574 = arith.sitofp %get3A_573 : vector<16xi32> to vector<16xf32>
      %mul3A_575 = arith.constant 101.265823 : f32
      %mul3A_576 = vector.broadcast %mul3A_575 : f32 to vector<16xf32>
      %mul3A_577 = arith.mulf %convert_element_type3A_574, %mul3A_576 : vector<16xf32>
      %add3A_578 = arith.constant -4.000000e+03 : f32
      %add3A_579 = vector.broadcast %add3A_578 : f32 to vector<16xf32>
      %add3A_580 = arith.addf %mul3A_577, %add3A_579 : vector<16xf32>
      %swap3A_581 = arith.constant 0 : i32
      %swap3A_582 = arith.constant 7 : i32
      %swap3A_583 = arith.index_cast %swap3A_581 : i32 to index
      %swap3A_584 = arith.index_cast %swap3A_582 : i32 to index
      %swap3A_585 = arith.index_cast %mul3A_46 : i32 to index
      %swap3A_586 = tpu.vector_load %arg9[%swap3A_583, %swap3A_584, %swap3A_585] {strides = array<i32>} : memref<4x8x256xf32, #tpu.memory_space<vmem>>, vector<16xf32>,
      tpu.vector_store %arg9[%swap3A_583, %swap3A_584, %swap3A_585], %add3A_580 {strides = array<i32>} : memref<4x8x256xf32, #tpu.memory_space<vmem>>, vector<16xf32>,
      %get3A_587 = arith.constant 1 : i32
      %get3A_588 = arith.constant 7 : i32
      %get3A_589 = arith.index_cast %get3A_587 : i32 to index
      %get3A_590 = arith.index_cast %get3A_588 : i32 to index
      %get3A_591 = arith.index_cast %mul3A_46 : i32 to index
      %get3A_592 = tpu.vector_load %arg6[%get3A_589, %get3A_590, %get3A_591] {strides = array<i32>} : memref<3x8x256xi32, #tpu.memory_space<vmem>>, vector<16xi32>,
      %convert_element_type3A_593 = arith.sitofp %get3A_592 : vector<16xi32> to vector<16xf32>
      %mul3A_594 = arith.constant 101.265823 : f32
      %mul3A_595 = vector.broadcast %mul3A_594 : f32 to vector<16xf32>
      %mul3A_596 = arith.mulf %convert_element_type3A_593, %mul3A_595 : vector<16xf32>
      %add3A_597 = arith.constant -4.000000e+03 : f32
      %add3A_598 = vector.broadcast %add3A_597 : f32 to vector<16xf32>
      %add3A_599 = arith.addf %mul3A_596, %add3A_598 : vector<16xf32>
      %swap3A_600 = arith.constant 1 : i32
      %swap3A_601 = arith.constant 7 : i32
      %swap3A_602 = arith.index_cast %swap3A_600 : i32 to index
      %swap3A_603 = arith.index_cast %swap3A_601 : i32 to index
      %swap3A_604 = arith.index_cast %mul3A_46 : i32 to index
      %swap3A_605 = tpu.vector_load %arg9[%swap3A_602, %swap3A_603, %swap3A_604] {strides = array<i32>} : memref<4x8x256xf32, #tpu.memory_space<vmem>>, vector<16xf32>,
      tpu.vector_store %arg9[%swap3A_602, %swap3A_603, %swap3A_604], %add3A_599 {strides = array<i32>} : memref<4x8x256xf32, #tpu.memory_space<vmem>>, vector<16xf32>,
      %get3A_606 = arith.constant 2 : i32
      %get3A_607 = arith.constant 7 : i32
      %get3A_608 = arith.index_cast %get3A_606 : i32 to index
      %get3A_609 = arith.index_cast %get3A_607 : i32 to index
      %get3A_610 = arith.index_cast %mul3A_46 : i32 to index
      %get3A_611 = tpu.vector_load %arg6[%get3A_608, %get3A_609, %get3A_610] {strides = array<i32>} : memref<3x8x256xi32, #tpu.memory_space<vmem>>, vector<16xi32>,
      %convert_element_type3A_612 = arith.sitofp %get3A_611 : vector<16xi32> to vector<16xf32>
      %mul3A_613 = arith.constant 105.263161 : f32
      %mul3A_614 = vector.broadcast %mul3A_613 : f32 to vector<16xf32>
      %mul3A_615 = arith.mulf %convert_element_type3A_612, %mul3A_614 : vector<16xf32>
      %add3A_616 = arith.constant 0.000000e+00 : f32
      %add3A_617 = vector.broadcast %add3A_616 : f32 to vector<16xf32>
      %add3A_618 = arith.addf %mul3A_615, %add3A_617 : vector<16xf32>
      %swap3A_619 = arith.constant 2 : i32
      %swap3A_620 = arith.constant 7 : i32
      %swap3A_621 = arith.index_cast %swap3A_619 : i32 to index
      %swap3A_622 = arith.index_cast %swap3A_620 : i32 to index
      %swap3A_623 = arith.index_cast %mul3A_46 : i32 to index
      %swap3A_624 = tpu.vector_load %arg9[%swap3A_621, %swap3A_622, %swap3A_623] {strides = array<i32>} : memref<4x8x256xf32, #tpu.memory_space<vmem>>, vector<16xf32>,
      tpu.vector_store %arg9[%swap3A_621, %swap3A_622, %swap3A_623], %add3A_618 {strides = array<i32>} : memref<4x8x256xf32, #tpu.memory_space<vmem>>, vector<16xf32>,
      %get3A_625 = arith.constant 7 : i32
      %get3A_626 = arith.index_cast %get3A_625 : i32 to index
      %get3A_627 = arith.index_cast %mul3A_46 : i32 to index
      %get3A_628 = tpu.vector_load %arg7[%get3A_626, %get3A_627] {strides = array<i32>} : memref<8x256xf32, #tpu.memory_space<vmem>>, vector<16xf32>,
      %gt3A_629 = arith.constant 3.000000e-01 : f32
      %gt3A_630 = vector.broadcast %gt3A_629 : f32 to vector<16xf32>
      %gt3A_631 = arith.cmpf ogt, %get3A_628, %gt3A_630 : vector<16xf32>
      %convert_element_type3A_632 = arith.extui %gt3A_631 : vector<16xi1> to vector<16xi32>
      %convert_element_type3A_633 = arith.sitofp %convert_element_type3A_632 : vector<16xi32> to vector<16xf32>
      %sub3A_634 = arith.constant 1.000000e+00 : f32
      %sub3A_635 = vector.broadcast %sub3A_634 : f32 to vector<16xf32>
      %sub3A_636 = arith.subf %convert_element_type3A_633, %sub3A_635 : vector<16xf32>
      %swap3A_637 = arith.constant 3 : i32
      %swap3A_638 = arith.constant 7 : i32
      %swap3A_639 = arith.index_cast %swap3A_637 : i32 to index
      %swap3A_640 = arith.index_cast %swap3A_638 : i32 to index
      %swap3A_641 = arith.index_cast %mul3A_46 : i32 to index
      %swap3A_642 = tpu.vector_load %arg9[%swap3A_639, %swap3A_640, %swap3A_641] {strides = array<i32>} : memref<4x8x256xf32, #tpu.memory_space<vmem>>, vector<16xf32>,
      tpu.vector_store %arg9[%swap3A_639, %swap3A_640, %swap3A_641], %sub3A_636 {strides = array<i32>} : memref<4x8x256xf32, #tpu.memory_space<vmem>>, vector<16xf32>,
    }
    %scan3A_39 = arith.constant 16 : i32
    "tpu.region"() ({
      %run_scoped3A_44 = tpu.sem_alloc : memref<!tpu.dma_semaphore, #tpu.memory_space<semaphore_mem>>
      %dma_start3A = arith.constant 0 : i32
      %dma_start3A_45 = tpu.memref_slice %arg5[%dma_start3A, %mul3A_18, %mul3A_34] : memref<7x64x1024xf32, #tpu.memory_space<hbm>> -> memref<4x8x256xf32, #tpu.memory_space<hbm>>
      %dma_start3A_46 = arith.constant 0 : i32
      %dma_start3A_47 = tpu.memref_slice %arg5[%dma_start3A_46, %mul3A_18, %mul3A_34] : memref<7x64x1024xf32, #tpu.memory_space<hbm>> -> memref<4x8x256xf32, #tpu.memory_space<hbm>>
      tpu.enqueue_dma source(%arg9 : memref<4x8x256xf32, #tpu.memory_space<vmem>>) target(%dma_start3A_47 : memref<4x8x256xf32, #tpu.memory_space<hbm>>) target_semaphore(%run_scoped3A_44 : memref<!tpu.dma_semaphore, #tpu.memory_space<semaphore_mem>>)
      %dma_wait3A = arith.constant 0 : i32
      %dma_wait3A_48 = tpu.memref_slice %arg5[%dma_wait3A, %mul3A_18, %mul3A_34] : memref<7x64x1024xf32, #tpu.memory_space<hbm>> -> memref<4x8x256xf32, #tpu.memory_space<hbm>>
      %dma_wait3A_49 = arith.constant 0 : i32
      %dma_wait3A_50 = tpu.memref_slice %arg5[%dma_wait3A_49, %mul3A_18, %mul3A_34] : memref<7x64x1024xf32, #tpu.memory_space<hbm>> -> memref<4x8x256xf32, #tpu.memory_space<hbm>>
      tpu.wait_dma2 semaphore(%run_scoped3A_44 : memref<!tpu.dma_semaphore, #tpu.memory_space<semaphore_mem>>) src(%arg9 : memref<4x8x256xf32, #tpu.memory_space<vmem>>) dst(%dma_wait3A_50 : memref<4x8x256xf32, #tpu.memory_space<hbm>>)
      tpu.yield
    }) : () -> ()
    %run_scoped3A = arith.constant 4 : i32
    "tpu.region"() ({
      %run_scoped3A_44 = tpu.sem_alloc : memref<!tpu.dma_semaphore, #tpu.memory_space<semaphore_mem>>
      %dma_start3A = tpu.memref_slice %arg5[%run_scoped3A, %mul3A_18, %mul3A_34] : memref<7x64x1024xf32, #tpu.memory_space<hbm>> -> memref<1x8x256xf32, #tpu.memory_space<hbm>>
      %dma_start3A_45 = tpu.memref_squeeze %dma_start3A : memref<1x8x256xf32, #tpu.memory_space<hbm>> -> memref<8x256xf32, #tpu.memory_space<hbm>>
      %dma_start3A_46 = tpu.memref_slice %arg5[%run_scoped3A, %mul3A_18, %mul3A_34] : memref<7x64x1024xf32, #tpu.memory_space<hbm>> -> memref<1x8x256xf32, #tpu.memory_space<hbm>>
      %dma_start3A_47 = tpu.memref_squeeze %dma_start3A_46 : memref<1x8x256xf32, #tpu.memory_space<hbm>> -> memref<8x256xf32, #tpu.memory_space<hbm>>
      tpu.enqueue_dma source(%arg7 : memref<8x256xf32, #tpu.memory_space<vmem>>) target(%dma_start3A_47 : memref<8x256xf32, #tpu.memory_space<hbm>>) target_semaphore(%run_scoped3A_44 : memref<!tpu.dma_semaphore, #tpu.memory_space<semaphore_mem>>)
      %dma_wait3A = tpu.memref_slice %arg5[%run_scoped3A, %mul3A_18, %mul3A_34] : memref<7x64x1024xf32, #tpu.memory_space<hbm>> -> memref<1x8x256xf32, #tpu.memory_space<hbm>>
      %dma_wait3A_48 = tpu.memref_squeeze %dma_wait3A : memref<1x8x256xf32, #tpu.memory_space<hbm>> -> memref<8x256xf32, #tpu.memory_space<hbm>>
      %dma_wait3A_49 = tpu.memref_slice %arg5[%run_scoped3A, %mul3A_18, %mul3A_34] : memref<7x64x1024xf32, #tpu.memory_space<hbm>> -> memref<1x8x256xf32, #tpu.memory_space<hbm>>
      %dma_wait3A_50 = tpu.memref_squeeze %dma_wait3A_49 : memref<1x8x256xf32, #tpu.memory_space<hbm>> -> memref<8x256xf32, #tpu.memory_space<hbm>>
      tpu.wait_dma2 semaphore(%run_scoped3A_44 : memref<!tpu.dma_semaphore, #tpu.memory_space<semaphore_mem>>) src(%arg7 : memref<8x256xf32, #tpu.memory_space<vmem>>) dst(%dma_wait3A_50 : memref<8x256xf32, #tpu.memory_space<hbm>>)
      tpu.yield
    }) : () -> ()
    %run_scoped3A_40 = arith.constant 0 : i32
    %run_scoped3A_41 = arith.constant 5 : i32
    "tpu.region"() ({
      %run_scoped3A_44 = tpu.sem_alloc : memref<!tpu.dma_semaphore, #tpu.memory_space<semaphore_mem>>
      %dma_start3A = arith.constant 0 : i32
      %dma_start3A_45 = arith.constant 0 : i32
      %dma_start3A_46 = tpu.memref_slice %arg8[%dma_start3A, %run_scoped3A_40, %dma_start3A_45] : memref<8x2x256xf32, #tpu.memory_space<vmem>> -> memref<8x1x256xf32, #tpu.memory_space<vmem>>
      %dma_start3A_47 = tpu.memref_squeeze %dma_start3A_46 : memref<8x1x256xf32, #tpu.memory_space<vmem>> -> memref<8x256xf32, #tpu.memory_space<vmem>>
      %dma_start3A_48 = tpu.memref_slice %arg5[%run_scoped3A_41, %mul3A_18, %mul3A_34] : memref<7x64x1024xf32, #tpu.memory_space<hbm>> -> memref<1x8x256xf32, #tpu.memory_space<hbm>>
      %dma_start3A_49 = tpu.memref_squeeze %dma_start3A_48 : memref<1x8x256xf32, #tpu.memory_space<hbm>> -> memref<8x256xf32, #tpu.memory_space<hbm>>
      %dma_start3A_50 = tpu.memref_slice %arg5[%run_scoped3A_41, %mul3A_18, %mul3A_34] : memref<7x64x1024xf32, #tpu.memory_space<hbm>> -> memref<1x8x256xf32, #tpu.memory_space<hbm>>
      %dma_start3A_51 = tpu.memref_squeeze %dma_start3A_50 : memref<1x8x256xf32, #tpu.memory_space<hbm>> -> memref<8x256xf32, #tpu.memory_space<hbm>>
      %dma_start3A_52 = arith.constant 0 : i32
      %dma_start3A_53 = arith.constant 0 : i32
      %dma_start3A_54 = tpu.memref_slice %arg8[%dma_start3A_52, %run_scoped3A_40, %dma_start3A_53] : memref<8x2x256xf32, #tpu.memory_space<vmem>> -> memref<8x1x256xf32, #tpu.memory_space<vmem>>
      %dma_start3A_55 = tpu.memref_squeeze %dma_start3A_54 : memref<8x1x256xf32, #tpu.memory_space<vmem>> -> memref<8x256xf32, #tpu.memory_space<vmem>>
      tpu.enqueue_dma source(%dma_start3A_55 : memref<8x256xf32, #tpu.memory_space<vmem>>) target(%dma_start3A_51 : memref<8x256xf32, #tpu.memory_space<hbm>>) target_semaphore(%run_scoped3A_44 : memref<!tpu.dma_semaphore, #tpu.memory_space<semaphore_mem>>)
      %dma_wait3A = arith.constant 0 : i32
      %dma_wait3A_56 = arith.constant 0 : i32
      %dma_wait3A_57 = tpu.memref_slice %arg8[%dma_wait3A, %run_scoped3A_40, %dma_wait3A_56] : memref<8x2x256xf32, #tpu.memory_space<vmem>> -> memref<8x1x256xf32, #tpu.memory_space<vmem>>
      %dma_wait3A_58 = tpu.memref_squeeze %dma_wait3A_57 : memref<8x1x256xf32, #tpu.memory_space<vmem>> -> memref<8x256xf32, #tpu.memory_space<vmem>>
      %dma_wait3A_59 = tpu.memref_slice %arg5[%run_scoped3A_41, %mul3A_18, %mul3A_34] : memref<7x64x1024xf32, #tpu.memory_space<hbm>> -> memref<1x8x256xf32, #tpu.memory_space<hbm>>
      %dma_wait3A_60 = tpu.memref_squeeze %dma_wait3A_59 : memref<1x8x256xf32, #tpu.memory_space<hbm>> -> memref<8x256xf32, #tpu.memory_space<hbm>>
      %dma_wait3A_61 = tpu.memref_slice %arg5[%run_scoped3A_41, %mul3A_18, %mul3A_34] : memref<7x64x1024xf32, #tpu.memory_space<hbm>> -> memref<1x8x256xf32, #tpu.memory_space<hbm>>
      %dma_wait3A_62 = tpu.memref_squeeze %dma_wait3A_61 : memref<1x8x256xf32, #tpu.memory_space<hbm>> -> memref<8x256xf32, #tpu.memory_space<hbm>>
      %dma_wait3A_63 = arith.constant 0 : i32
      %dma_wait3A_64 = arith.constant 0 : i32
      %dma_wait3A_65 = tpu.memref_slice %arg8[%dma_wait3A_63, %run_scoped3A_40, %dma_wait3A_64] : memref<8x2x256xf32, #tpu.memory_space<vmem>> -> memref<8x1x256xf32, #tpu.memory_space<vmem>>
      %dma_wait3A_66 = tpu.memref_squeeze %dma_wait3A_65 : memref<8x1x256xf32, #tpu.memory_space<vmem>> -> memref<8x256xf32, #tpu.memory_space<vmem>>
      tpu.wait_dma2 semaphore(%run_scoped3A_44 : memref<!tpu.dma_semaphore, #tpu.memory_space<semaphore_mem>>) src(%dma_wait3A_66 : memref<8x256xf32, #tpu.memory_space<vmem>>) dst(%dma_wait3A_62 : memref<8x256xf32, #tpu.memory_space<hbm>>)
      tpu.yield
    }) : () -> ()
    %run_scoped3A_42 = arith.constant 1 : i32
    %run_scoped3A_43 = arith.constant 6 : i32
    "tpu.region"() ({
      %run_scoped3A_44 = tpu.sem_alloc : memref<!tpu.dma_semaphore, #tpu.memory_space<semaphore_mem>>
      %dma_start3A = arith.constant 0 : i32
      %dma_start3A_45 = arith.constant 0 : i32
      %dma_start3A_46 = tpu.memref_slice %arg8[%dma_start3A, %run_scoped3A_42, %dma_start3A_45] : memref<8x2x256xf32, #tpu.memory_space<vmem>> -> memref<8x1x256xf32, #tpu.memory_space<vmem>>
      %dma_start3A_47 = tpu.memref_squeeze %dma_start3A_46 : memref<8x1x256xf32, #tpu.memory_space<vmem>> -> memref<8x256xf32, #tpu.memory_space<vmem>>
      %dma_start3A_48 = tpu.memref_slice %arg5[%run_scoped3A_43, %mul3A_18, %mul3A_34] : memref<7x64x1024xf32, #tpu.memory_space<hbm>> -> memref<1x8x256xf32, #tpu.memory_space<hbm>>
      %dma_start3A_49 = tpu.memref_squeeze %dma_start3A_48 : memref<1x8x256xf32, #tpu.memory_space<hbm>> -> memref<8x256xf32, #tpu.memory_space<hbm>>
      %dma_start3A_50 = tpu.memref_slice %arg5[%run_scoped3A_43, %mul3A_18, %mul3A_34] : memref<7x64x1024xf32, #tpu.memory_space<hbm>> -> memref<1x8x256xf32, #tpu.memory_space<hbm>>
      %dma_start3A_51 = tpu.memref_squeeze %dma_start3A_50 : memref<1x8x256xf32, #tpu.memory_space<hbm>> -> memref<8x256xf32, #tpu.memory_space<hbm>>
      %dma_start3A_52 = arith.constant 0 : i32
      %dma_start3A_53 = arith.constant 0 : i32
      %dma_start3A_54 = tpu.memref_slice %arg8[%dma_start3A_52, %run_scoped3A_42, %dma_start3A_53] : memref<8x2x256xf32, #tpu.memory_space<vmem>> -> memref<8x1x256xf32, #tpu.memory_space<vmem>>
      %dma_start3A_55 = tpu.memref_squeeze %dma_start3A_54 : memref<8x1x256xf32, #tpu.memory_space<vmem>> -> memref<8x256xf32, #tpu.memory_space<vmem>>
      tpu.enqueue_dma source(%dma_start3A_55 : memref<8x256xf32, #tpu.memory_space<vmem>>) target(%dma_start3A_51 : memref<8x256xf32, #tpu.memory_space<hbm>>) target_semaphore(%run_scoped3A_44 : memref<!tpu.dma_semaphore, #tpu.memory_space<semaphore_mem>>)
      %dma_wait3A = arith.constant 0 : i32
      %dma_wait3A_56 = arith.constant 0 : i32
      %dma_wait3A_57 = tpu.memref_slice %arg8[%dma_wait3A, %run_scoped3A_42, %dma_wait3A_56] : memref<8x2x256xf32, #tpu.memory_space<vmem>> -> memref<8x1x256xf32, #tpu.memory_space<vmem>>
      %dma_wait3A_58 = tpu.memref_squeeze %dma_wait3A_57 : memref<8x1x256xf32, #tpu.memory_space<vmem>> -> memref<8x256xf32, #tpu.memory_space<vmem>>
      %dma_wait3A_59 = tpu.memref_slice %arg5[%run_scoped3A_43, %mul3A_18, %mul3A_34] : memref<7x64x1024xf32, #tpu.memory_space<hbm>> -> memref<1x8x256xf32, #tpu.memory_space<hbm>>
      %dma_wait3A_60 = tpu.memref_squeeze %dma_wait3A_59 : memref<1x8x256xf32, #tpu.memory_space<hbm>> -> memref<8x256xf32, #tpu.memory_space<hbm>>
      %dma_wait3A_61 = tpu.memref_slice %arg5[%run_scoped3A_43, %mul3A_18, %mul3A_34] : memref<7x64x1024xf32, #tpu.memory_space<hbm>> -> memref<1x8x256xf32, #tpu.memory_space<hbm>>
      %dma_wait3A_62 = tpu.memref_squeeze %dma_wait3A_61 : memref<1x8x256xf32, #tpu.memory_space<hbm>> -> memref<8x256xf32, #tpu.memory_space<hbm>>
      %dma_wait3A_63 = arith.constant 0 : i32
      %dma_wait3A_64 = arith.constant 0 : i32
      %dma_wait3A_65 = tpu.memref_slice %arg8[%dma_wait3A_63, %run_scoped3A_42, %dma_wait3A_64] : memref<8x2x256xf32, #tpu.memory_space<vmem>> -> memref<8x1x256xf32, #tpu.memory_space<vmem>>
      %dma_wait3A_66 = tpu.memref_squeeze %dma_wait3A_65 : memref<8x1x256xf32, #tpu.memory_space<vmem>> -> memref<8x256xf32, #tpu.memory_space<vmem>>
      tpu.wait_dma2 semaphore(%run_scoped3A_44 : memref<!tpu.dma_semaphore, #tpu.memory_space<semaphore_mem>>) src(%dma_wait3A_66 : memref<8x256xf32, #tpu.memory_space<vmem>>) dst(%dma_wait3A_62 : memref<8x256xf32, #tpu.memory_space<hbm>>)
      tpu.yield
    }) : () -> ()
    return
  }
}

</mosaic_0001>

<sc_bundles>
// kernel: kernel.3.cloned.1.call-start
scs
__scs_entry_jumppad:
0x0: {  	(pc) =	sbr.rel $0x88, $3  }
0x1: {  	(tag) =	ssettag $0x0;
	lr =	simm.s32 $0x1  }
0x2: {  	[smem:$0x3F9E] =	sst lr;
	_ =	strace $0xD0000000  }
0x3: {  	_ = 	snop  }
0x4: {  	_ = 	snop  }
0x5: {  	_ = 	snop  }
0x6: {  	_ = 	snop  }
0x7: {  	_ = 	snop  }
__scs_overlays_trampoline_lowered:
0x8: {  	[smem:$0x3FAD] =	sst s0  }
0x9: {  	[smem:$0x3FAE] =	sst s1  }
0xa: {  	[smem:$0x3FAF] =	sst s2  }
0xb: {  	[smem:$0x3FB0] =	sst s3  }
0xc: {  	[smem:$0x3FB1] =	sst s4  }
0xd: {  	[smem:$0x3FB2] =	sst s5  }
0xe: {  	[smem:$0x3FB3] =	sst s6  }
0xf: {  	[smem:$0x3FB4] =	sst s7  }
0x10: {  	[smem:$0x3FB5] =	sst s8  }
0x11: {  	[smem:$0x3FB6] =	sst s9;
	s0 =	simm.s32 @!p0 $0x0  }
0x12: {  	s1 =	sld [smem:$0x3F9C];
	s0 =	simm.s32 @p0 $0x1  }
0x13: {  	[smem:$0x3FB7] =	sst s0;
	s0 =	simm.s32 @!p1 $0x0  }
0x14: {  	s2 =	sld [smem:$0x3F9B];
	s0 =	simm.s32 @p1 $0x1  }
0x15: {  	[smem:$0x3FB8] =	sst s0;
	s0 =	simm.s32 @!p2 $0x0  }
0x16: {  	s3 =	sld [smem:$0x3FDB];
	s0 =	simm.s32 @p2 $0x1  }
0x17: {  	s4 =	simm.s32 $0x1BF5;
	[smem:$0x3FBA] =	sst s0  }
0x18: {  	s0 =	sld [smem:$0x3F9D];
	_ =	swait.ge [sflag:s4], $0x0  }
0x19: {  	s7 =	sld [smem:$0x3F9E]  }
0x1a: {  	s8 =	sadd.s32 $0xFFFFE003, lr  }
0x1b: {  	s9 =	sadd.s32 $0xFFFFFEF7, lr;
	s5 =	simm.s32 $0xFFFFFFFF;
	p2 =	slt.u32 s8, $0xFFFFF086  }
0x1c: {  	p1 =	slt.u32 s9, $0xF7A;
	s5 =	simm.s32 @!p2 $0x0  }
0x1d: {  	s5 =	simm.s32 @p1 $0x1;
	p0 =	seq.s32 s7, s2  }
0x1e: {  	s7 =	smul.u32 @!p0 $0xF7A, s2;
	p2 =	seq.s32 @!p0 s5, $0x0  }
0x1f: {  	s9 =	smul.u32 $0xF7A, s1;
	s8 =	simm.s32 @!p0 $0x1BF5;
	p2 =	por !p2, p0  }
0x20: {  	[sflag:s8] =	ssyncset.s32 @!p0 $0xFFFFF086;
	s6 =	sadd.s32 @!p0 s3, s7;
	s7 =	simm.s32 @!p0 $0x108  }
0x21: {  	s3 =	sadd.s32 s3, s9;
	s6 =	sadd.s32 @!p0 $0x88, s6;
	s7 =	simm.s32 @p2 $0x1082  }
0x22: {  	[simem:s7], [sflag:s8] =	dma.local @!p0 [hbm:s6], $0xF7A  }
0x23: {  	s9 =	sor.u32 $0xD0000000, s2;
	s6 =	simm.s32 $0x108;
	_ =	swait.ge @!p0 [sflag:s8], $0x0  }
0x24: {  	s3 =	sadd.s32 $0x88, s3;
	s6 =	simm.s32 @!p1 $0x1082;
	[sflag:s4] =	ssyncset.s32 $0xFFFFF086  }
0x25: {  	[simem:s6], [sflag:s4] =	dma.local [hbm:s3], $0xF7A  }
0x26: {  	[smem:$0x3F9E] =	sst s1;
	(tag) =	ssettag s2;
	_ =	strace s9  }
0x27: {  	s1 =	sld [smem:$0x3FAE]  }
0x28: {  	s2 =	sld [smem:$0x3FAF]  }
0x29: {  	s4 =	sld [smem:$0x3FB1]  }
0x2a: {  	p0 =	seq.s32 s5, $0x0;
	s5 =	sld [smem:$0x3FB2]  }
0x2b: {  	s6 =	sld [smem:$0x3FB3]  }
0x2c: {  	s7 =	sld [smem:$0x3FB4]  }
0x2d: {  	s3 =	simm.s32 $0x108;
	s8 =	sld [smem:$0x3FB5]  }
0x2e: {  	s3 =	simm.s32 @!p0 $0x1082;
	s9 =	sld [smem:$0x3FB6]  }
0x2f: {  	lr =	sadd.s32 s0, s3;
	s0 =	sld [smem:$0x3FAD]  }
0x30: {  	s3 =	sld [smem:$0x3FB0]  }
0x31: {  	[smem:$0x3FB9] =	sst s10  }
0x32: {  	s10 =	sld [smem:$0x3FB7];
	_ =	sdelay $0x3  }
0x33: {  	p0 =	seq.s32 s10, $0x1;
	s10 =	sld [smem:$0x3FB9];
	_ =	sdelay $0x3  }
0x34: {  	[smem:$0x3FB9] =	sst s10  }
0x35: {  	s10 =	sld [smem:$0x3FB8];
	_ =	sdelay $0x3  }
0x36: {  	p1 =	seq.s32 s10, $0x1;
	s10 =	sld [smem:$0x3FB9];
	_ =	sdelay $0x3  }
0x37: {  	[smem:$0x3FB9] =	sst s10  }
0x38: {  	s10 =	sld [smem:$0x3FBA]  }
0x39: {  	_ = 	snop;
	(pc) =	sbr.ind lr, $3  }
0x3a: {  	_ = 	snop  }
0x3b: {  	_ = 	snop  }
0x3c: {  	p2 =	seq.s32 s10, $0x1;
	s10 =	sld [smem:$0x3FB9]  }
0x3d: {  	_ =	shalt  }
0x3e: {  	_ =	shalt  }
0x3f: {  	_ =	shalt  }
0x40: {  	_ =	shalt  }
0x41: {  	_ =	shalt  }
0x42: {  	_ =	shalt  }
0x43: {  	_ =	shalt  }
0x44: {  	_ =	shalt  }
0x45: {  	_ =	shalt  }
0x46: {  	_ =	shalt  }
0x47: {  	_ =	shalt  }
0x48: {  	_ =	shalt  }
0x49: {  	_ =	shalt  }
0x4a: {  	_ =	shalt  }
0x4b: {  	_ =	shalt  }
0x4c: {  	_ =	shalt  }
0x4d: {  	_ =	shalt  }
0x4e: {  	_ =	shalt  }
0x4f: {  	_ =	shalt  }
0x50: {  	_ =	shalt  }
0x51: {  	_ =	shalt  }
0x52: {  	_ =	shalt  }
0x53: {  	_ =	shalt  }
0x54: {  	_ =	shalt  }
0x55: {  	_ =	shalt  }
0x56: {  	_ =	shalt  }
0x57: {  	_ =	shalt  }
0x58: {  	_ =	shalt  }
0x59: {  	_ =	shalt  }
0x5a: {  	_ =	shalt  }
0x5b: {  	_ =	shalt  }
0x5c: {  	_ =	shalt  }
0x5d: {  	_ =	shalt  }
0x5e: {  	_ =	shalt  }
0x5f: {  	_ =	shalt  }
0x60: {  	_ =	shalt  }
0x61: {  	_ =	shalt  }
0x62: {  	_ =	shalt  }
0x63: {  	_ =	shalt  }
0x64: {  	_ =	shalt  }
0x65: {  	_ =	shalt  }
0x66: {  	_ =	shalt  }
0x67: {  	_ =	shalt  }
0x68: {  	_ =	shalt  }
0x69: {  	_ =	shalt  }
0x6a: {  	_ =	shalt  }
0x6b: {  	_ =	shalt  }
0x6c: {  	_ =	shalt  }
0x6d: {  	_ =	shalt  }
0x6e: {  	_ =	shalt  }
0x6f: {  	_ =	shalt  }
0x70: {  	_ =	shalt  }
0x71: {  	_ =	shalt  }
0x72: {  	_ =	shalt  }
0x73: {  	_ =	shalt  }
0x74: {  	_ =	shalt  }
0x75: {  	_ =	shalt  }
0x76: {  	_ =	shalt  }
0x77: {  	_ =	shalt  }
0x78: {  	_ =	shalt  }
0x79: {  	_ =	shalt  }
0x7a: {  	_ =	shalt  }
0x7b: {  	_ =	shalt  }
0x7c: {  	_ =	shalt  }
0x7d: {  	_ =	shalt  }
0x7e: {  	_ =	shalt  }
0x7f: {  	_ =	shalt  }
0x80: {  	_ =	shalt  }
0x81: {  	_ =	shalt  }
0x82: {  	_ =	shalt  }
0x83: {  	_ =	shalt  }
0x84: {  	_ =	shalt  }
0x85: {  	_ =	shalt  }
0x86: {  	_ =	shalt  }
0x87: {  	_ =	shalt  }
.Lfunc_end0:
.L_simem_size_0:
called_computation_lowered:
.L_overlay_start_0:
0x88: {  	s2 =	sld [smem:$0x3FD9]  }
0x89: {  	s3 =	sld [smem:$0x3FFE];
	_ =	sdelay $0x1  }
0x8a: {  	s1 =	srdreg.scid  }
0x8b: {  	s0 =	sand.u32 $0x1, s1  }
0x8c: {  	s18 =	sshll.u32 s0, $0xA;
	s2 =	sadd.s32 s3, s2  }
0x8d: {  	s2 =	sadd.s32 s2, s18  }
0x8e: {  	[smem:$0x3FC5] =	sst s2  }
0x8f: {  	_ = 	snop  }
0x90: {  	s2 =	sld [smem:$0x3FC9]  }
0x91: {  	s19 =	sld [smem:$0x3FC8]  }
0x92: {  	s4 =	sld [smem:$0x3FC7]  }
0x93: {  	s5 =	sld [smem:$0x3FD0];
	(tm) =	ssettm $0x1  }
0x94: {  	s6 =	sld [smem:$0x3FFB];
	_ =	sdelay $0x3  }
0x95: {  	_ =	strace s6  }
0x96: {  	s6 =	sld [smem:$0x3FFC];
	_ =	sdelay $0x3  }
0x97: {  	_ =	strace s6  }
0x98: {  	s6 =	sld [smem:$0x3FFD];
	_ =	sdelay $0x3  }
0x99: {  	_ =	strace s6  }
0x9a: {  	_ =	strace $0x8FFFFFFF  }
0x9b: {  	s20 =	sld [smem:$0x3FDB];
	_ =	sdelay $0x1  }
0x9c: {  	s7 =	simm.s32 $_scs_section_size  }
0x9d: {  	s8 =	simm.s32 $_size__tile_overlayer_lowered;
	s9 =	simm.s32 $_tile_overlayer_lowered  }
0x9e: {  	s23 =	simm.s32 $0x1BFF;
	s22 =	sshll.u32 s9, $0x1;
	s6 =	sadd.s32 s7, s20  }
0x9f: {  	s10 =	simm.s32 $0x0;
	s21 =	sshll.u32 s8, $0x1;
	s8 =	sadd.s32 s22, s6  }
0xa0: {  	[timem:s10], [sflag:s23] =	dma.local [hbm:s8], s21  }
0xa1: {  	_ =	swait.ge [sflag:s23], s21  }
0xa2: {  	s7 =	ssub.s32 $0x0, s21;
	[sflag:s23] =	ssyncset.done $0x0  }
0xa3: {  	[sflag:s23] =	ssyncadd.s32 s7;
	_ =	sdelay $0x1  }
0xa4: {  	s24 =	simm.s32 $0x1B8B  }
0xa5: {  	_ =	swait.ge [sflag:s24], $0x1  }
0xa6: {  	[sflag:s24] =	ssyncset.done $0x0  }
0xa7: {  	s25 =	simm.s32 $0x1B8E;
	[sflag:s24] =	ssyncadd.s32 $0xFFFFFFFF  }
0xa8: {  	s26 =	simm.s32 $execute0_lowered;
	[smem:$0x3FD2] =	sst s25  }
0xa9: {  	s7 =	sshll.u32 s26, $0x1;
	_ =	strace $0x80000046;
	[dreg:$0x1] =	wrdreg $0xFFFFFFFF  }
0xaa: {  	s28 =	simm.s32 $_size_execute0_lowered;
	s6 =	sadd.s32 s6, s7;
	[dreg:$0x0] =	wrdreg $0x0  }
0xab: {  	s7 =	sshll.u32 s28, $0x1;
	[dreg:$0x2] =	wrdreg s6  }
0xac: {  	[dreg:$0x3] =	wrdreg s7  }
0xad: {  	[dreg:$0x4] =	wrdreg $0xC0  }
0xae: {  	_ =	task [dreg:s10], $0x5FFFF  }
0xaf: {  	[dreg:$0x1] =	wrdreg $0xFFFFFFFF  }
0xb0: {  	[dreg:$0x0] =	wrdreg $0x60  }
0xb1: {  	[dreg:$0x2] =	wrdreg s2  }
0xb2: {  	[dreg:$0x3] =	wrdreg s19  }
0xb3: {  	[dreg:$0x4] =	wrdreg s4  }
0xb4: {  	[dreg:$0x5] =	wrdreg s5  }
0xb5: {  	[dreg:$0x6] =	wrdreg $0x9  }
0xb6: {  	_ =	task.clear_ibuf [dreg:s10], $0x7FFFF;
	_ =	strace $0x90000046  }
0xb7: {  	s29 =	simm.s32 $0x9;
	_ =	strace $0x80000048  }
0xb8: {  	_ =	swait.ge [sflag:s29], $0x1  }
0xb9: {  	[sflag:s29] =	ssyncadd.s32 $0xFFFFFFFF  }
0xba: {  	_ =	strace $0x90000048  }
0xbb: {  	_ =	sfence  }
0xbc: {  	s30 =	sld [smem:$0x0];
	_ =	sdelay $0x2  }
0xbd: {  	s31 =	sshll.u32 s1, $0xD;
	s1 =	sshrl.u32 s1, $0x2  }
0xbe: {  	s3 =	sand.u32 $0x4000, s31;
	s1 =	sadd.s32 s1, s30  }
0xbf: {  	s0 =	sor.u32 s3, s0;
	s1 =	sshll.u32 s1, $0x11  }
0xc0: {  	s0 =	sor.u32 s1, s0  }
0xc1: {  	s0 =	sadd.s32 $0x8F2B, s0  }
0xc2: {  	[sflag:s0] =	ssyncadd.remote.s32 $0x1  }
0xc3: {  	_ =	sfence.sel $0xFFFF  }
0xc4: {  	[dreg:$0x0] =	wrdreg $0xFFFFFFFF;
	(pc) =	sbr.abs _section_cstart, $3  }
0xc5: {  	[dreg:$0x1] =	wrdreg $0xFFFFFFFF  }
0xc6: {  	_ =	task.clear_ibuf [dreg:s10], $0x2FFFF;
	_ =	strace $0x9FFFFFFF  }
0xc7: {  	(tm) =	ssettm $0x7FFFFFFF  }
tec
execute0_lowered:
.L_overlay_start_1:
0x0: {  	(tag) =	ssettag $0x1  }
0x1: {  	s0 =	rddreg [dreg:$0x0]  }
0x2: {  	s1 =	rddreg [dreg:$0x1]  }
0x3: {  	s4 =	rddreg [dreg:$0x2]  }
0x4: {  	s5 =	rddreg [dreg:$0x3];
	s2 =	simm.s32 $0x0;
	s3 =	srdreg.scid  }
0x5: {  	s9 =	stileid.u32;
	s11 =	simm.s32 $0x800;
	s12 =	simm.s32 $0x10000  }
0x6: {  	s13 =	simm.s32 $0x1;
	s14 =	simm.s32 $0x1800;
	s16 =	simm.s32 $0x2000  }
0x7: {  	s28 =	simm.s32 $0x2780;
	s29 =	simm.s32 $0x2980;
	s30 =	simm.s32 $0x2B80  }
0x8: {  	s31 =	simm.s32 $0x2D80;
	[smem:$0x7FF] =	sst s2;
	s3 =	sand.u32 $0x1, s3  }
0x9: {  	s6 =	sshll.u32 s9, $0x1;
	s9 =	sshrl.u32 s9, $0x1;
	_ =	strace $0x80000047  }
0xa: {  	s7 =	ssub.s32 $0x2, s3;
	s6 =	sand.u32 $0x2, s6;
	s22 =	sshll.u32 s9, $0xA  }
0xb: {  	s25 =	sshll.u32 s9, $0xB;
	s8 =	sshrl.u32 s7, $0x1;
	s3 =	sor.u32 s3, s6  }
0xc: {  	s26 =	sadd.s32 s4, s25;
	s25 =	simm.s32 $0x2380;
	s23 =	sshll.u32 s3, $0x8  }
0xd: {  	s10 =	ssub.s32 s7, s8;
	s24 =	sshll.u32 s3, $0x6;
	s6 =	sor.u32 s22, s23  }
0xe: {  	s10 =	smax.u32 s10, $0x1;
	s3 =	sadd.s32 s0, s6;
	s4 =	sadd.s32 s5, s6  }
0xf: {  	s5 =	sadd.s32 s1, s6;
	s6 =	sadd.s32 s24, s26;
	s24 =	simm.s32 $0x2180  }
0x10: {  	s26 =	simm.s32 $0x2580;
	s0 =	simm.s32 $0x2F80;
	s1 =	simm.s32 $0x0  }
0x11: {  	v0 =	vimm.s32 $0x0;
	s7 =	sadd.s32 $0x8000, s4;
	s8 =	sadd.s32 $0xA000, s4;
	s9 =	sadd.s32 $0xC000, s4  }
.LBB2_1:
0x12: {  	[tilespmem:s2], [sflag:$0x1] =	stream.strided.gather [hbm4b:s3+s11], $0x1800, s12, s11, $0x38;
	[tilespmem:$0x5000] =	vst v63  }
0x13: {  	_ =	swait.ge [sflag:s13], $0x1800  }
0x14: {  	[sflag:s13] =	ssyncset.done $0x0  }
0x15: {  	[sflag:s13] =	ssyncadd.s32 $0xFFFFE800  }
0x16: {  	[tilespmem:s14], [sflag:$0x1] =	stream.linear.gather [hbm4b:s5+s2], $0x800, $0x38;
	[tilespmem:$0x5000] =	vst v63  }
0x17: {  	_ =	swait.ge [sflag:s13], $0x800  }
0x18: {  	[sflag:s13] =	ssyncset.done $0x0  }
0x19: {  	s15 =	simm.s32 $0x200;
	[sflag:s13] =	ssyncadd.s32 $0xFFFFF800  }
0x1a: {  	[tilespmem:s16], [sflag:$0x1] =	stream.strided.gather [hbm4b:s6+s15], $0x1000, s11, s15, $0x38;
	[tilespmem:$0x5000] =	vst v63  }
0x1b: {  	_ =	swait.ge [sflag:s13], $0x1000  }
0x1c: {  	s18 =	sand.u32 $0x70, s2;
	s17 =	sand.u32 $0x400, s2;
	[sflag:s13] =	ssyncset.done $0x0  }
0x1d: {  	s15 =	sor.u32 s18, s17;
	[sflag:s13] =	ssyncadd.s32 $0xFFFFF000  }
0x1e: {  	v1 =	vld [tilespmem:s15+$0x1000]  }
0x1f: {  	v2 =	vld [tilespmem:s15+$0x0]  }
0x20: {  	v3 =	vld [tilespmem:s15+$0x800];
	_ =	sdelay $0x2  }
0x21: {  	v4 =	vld [tilespmem:s15+$0x1800];
	v1 =	vcvt.s32.f32 v1  }
0x22: {  	v2 =	vcvt.s32.f32 v2  }
0x23: {  	v3 =	vcvt.s32.f32 v3;
	v1 =	vmul.f32 $1.052631610e+02, v1  }
0x24: {  	v2 =	vmul.f32 $1.012658230e+02, v2  }
0x25: {  	v3 =	vmul.f32 $1.012658230e+02, v3;
	v1 =	vadd.f32 $0.0e+00, v1  }
0x26: {  	vm0 =	vgt.f32 v4, $3.000000120e-01;
	v2 =	vadd.f32 $-4.000000000e+03, v2  }
0x27: {  	v4 =	vsel vm0, $0x3F800000, v0;
	v3 =	vadd.f32 $-4.000000000e+03, v3;
	[tilespmem:s15+$0x4000] =	vst v1  }
0x28: {  	s19 =	sand.u32 $0xFFFFFC00, s2;
	v1 =	vadd.f32 $-1.000000000e+00, v4;
	[tilespmem:s15+$0x3000] =	vst v2  }
0x29: {  	s17 =	sadd.s32 $0x0, s19;
	[tilespmem:s15+$0x3800] =	vst v3  }
0x2a: {  	s18 =	sor.u32 $0x80, s17;
	[tilespmem:s15+$0x4800] =	vst v1  }
0x2b: {  	v1 =	vld [tilespmem:s18+$0x0];
	_ =	sdelay $0x4  }
0x2c: {  	v1 =	vcvt.s32.f32 v1;
	_ =	sdelay $0x1  }
0x2d: {  	v1 =	vmul.f32 $1.012658230e+02, v1;
	_ =	sdelay $0x1  }
0x2e: {  	v1 =	vadd.f32 $-4.000000000e+03, v1;
	_ =	sdelay $0x1  }
0x2f: {  	s19 =	sor.u32 $0x880, s17;
	[tilespmem:s18+$0x3000] =	vst v1  }
0x30: {  	v1 =	vld [tilespmem:s19+$0x0];
	_ =	sdelay $0x4  }
0x31: {  	v1 =	vcvt.s32.f32 v1;
	_ =	sdelay $0x1  }
0x32: {  	v1 =	vmul.f32 $1.012658230e+02, v1;
	_ =	sdelay $0x1  }
0x33: {  	v1 =	vadd.f32 $-4.000000000e+03, v1;
	_ =	sdelay $0x1  }
0x34: {  	s20 =	sor.u32 $0x1080, s17;
	[tilespmem:s19+$0x3000] =	vst v1  }
0x35: {  	v1 =	vld [tilespmem:s20+$0x0];
	_ =	sdelay $0x4  }
0x36: {  	v1 =	vcvt.s32.f32 v1;
	_ =	sdelay $0x1  }
0x37: {  	v1 =	vmul.f32 $1.052631610e+02, v1;
	_ =	sdelay $0x1  }
0x38: {  	v1 =	vadd.f32 $0.0e+00, v1;
	_ =	sdelay $0x1  }
0x39: {  	[tilespmem:s20+$0x3000] =	vst v1  }
0x3a: {  	v1 =	vld [tilespmem:s15+$0x100]  }
0x3b: {  	v2 =	vld [tilespmem:s15+$0x900]  }
0x3c: {  	v3 =	vld [tilespmem:s15+$0x1100];
	_ =	sdelay $0x2  }
0x3d: {  	v60 =	vld [tilespmem:s15+$0x1900];
	v1 =	vcvt.s32.f32 v1  }
0x3e: {  	v5 =	vld [tilespmem:s18+$0x1800];
	v2 =	vcvt.s32.f32 v2  }
0x3f: {  	v3 =	vcvt.s32.f32 v3;
	v1 =	vmul.f32 $1.012658230e+02, v1  }
0x40: {  	v2 =	vmul.f32 $1.012658230e+02, v2  }
0x41: {  	v3 =	vmul.f32 $1.052631610e+02, v3;
	v1 =	vadd.f32 $-4.000000000e+03, v1  }
0x42: {  	vm11 =	vgt.f32 v60, $3.000000120e-01;
	v2 =	vadd.f32 $-4.000000000e+03, v2  }
0x43: {  	vm1 =	vgt.f32 v5, $3.000000120e-01;
	v4 =	vsel vm11, $0x3F800000, v0;
	[tilespmem:s15+$0x3100] =	vst v1;
	v1 =	vadd.f32 $0.0e+00, v3  }
0x44: {  	v3 =	vsel vm1, $0x3F800000, v0;
	[tilespmem:s15+$0x3900] =	vst v2;
	v2 =	vadd.f32 $-1.000000000e+00, v4  }
0x45: {  	v3 =	vadd.f32 $-1.000000000e+00, v3;
	[tilespmem:s15+$0x4100] =	vst v1  }
0x46: {  	[tilespmem:s15+$0x4900] =	vst v2  }
0x47: {  	s21 =	sor.u32 $0x180, s17;
	[tilespmem:s15+$0x4880] =	vst v3  }
0x48: {  	v1 =	vld [tilespmem:s21+$0x0];
	_ =	sdelay $0x4  }
0x49: {  	v1 =	vcvt.s32.f32 v1;
	_ =	sdelay $0x1  }
0x4a: {  	v1 =	vmul.f32 $1.012658230e+02, v1;
	_ =	sdelay $0x1  }
0x4b: {  	v1 =	vadd.f32 $-4.000000000e+03, v1;
	_ =	sdelay $0x1  }
0x4c: {  	s22 =	sor.u32 $0x980, s17;
	[tilespmem:s21+$0x3000] =	vst v1  }
0x4d: {  	v1 =	vld [tilespmem:s22+$0x0];
	_ =	sdelay $0x4  }
0x4e: {  	v1 =	vcvt.s32.f32 v1;
	_ =	sdelay $0x1  }
0x4f: {  	v1 =	vmul.f32 $1.012658230e+02, v1;
	_ =	sdelay $0x1  }
0x50: {  	v1 =	vadd.f32 $-4.000000000e+03, v1;
	_ =	sdelay $0x1  }
0x51: {  	s23 =	sor.u32 $0x1180, s17;
	[tilespmem:s22+$0x3000] =	vst v1  }
0x52: {  	v1 =	vld [tilespmem:s23+$0x0];
	_ =	sdelay $0x4  }
0x53: {  	v1 =	vcvt.s32.f32 v1;
	_ =	sdelay $0x1  }
0x54: {  	v1 =	vmul.f32 $1.052631610e+02, v1;
	_ =	sdelay $0x1  }
0x55: {  	v1 =	vadd.f32 $0.0e+00, v1;
	_ =	sdelay $0x1  }
0x56: {  	[tilespmem:s23+$0x3000] =	vst v1  }
0x57: {  	v1 =	vld [tilespmem:s15+$0x200]  }
0x58: {  	v2 =	vld [tilespmem:s15+$0xA00]  }
0x59: {  	v61 =	vld [tilespmem:s21+$0x1800]  }
0x5a: {  	v3 =	vld [tilespmem:s15+$0x1200];
	_ =	sdelay $0x2  }
0x5b: {  	v62 =	vld [tilespmem:s15+$0x1A00];
	v1 =	vcvt.s32.f32 v1  }
0x5c: {  	v2 =	vcvt.s32.f32 v2;
	vm12 =	vgt.f32 v61, $3.000000120e-01  }
0x5d: {  	v3 =	vcvt.s32.f32 v3;
	v4 =	vsel vm12, $0x3F800000, v0;
	v1 =	vmul.f32 $1.012658230e+02, v1  }
0x5e: {  	v2 =	vmul.f32 $1.012658230e+02, v2;
	v4 =	vadd.f32 $-1.000000000e+00, v4  }
0x5f: {  	v3 =	vmul.f32 $1.052631610e+02, v3;
	v1 =	vadd.f32 $-4.000000000e+03, v1  }
0x60: {  	vm13 =	vgt.f32 v62, $3.000000120e-01;
	v2 =	vadd.f32 $-4.000000000e+03, v2;
	[tilespmem:s15+$0x4980] =	vst v4  }
0x61: {  	v3 =	vadd.f32 $0.0e+00, v3;
	[tilespmem:s15+$0x3200] =	vst v1;
	v1 =	vsel vm13, $0x3F800000, v0  }
0x62: {  	[tilespmem:s15+$0x3A00] =	vst v2;
	v1 =	vadd.f32 $-1.000000000e+00, v1  }
0x63: {  	[tilespmem:s15+$0x4200] =	vst v3  }
0x64: {  	s20 =	sor.u32 $0x280, s17;
	[tilespmem:s15+$0x4A00] =	vst v1  }
0x65: {  	v1 =	vld [tilespmem:s20+$0x0];
	_ =	sdelay $0x4  }
0x66: {  	v1 =	vcvt.s32.f32 v1;
	_ =	sdelay $0x1  }
0x67: {  	v1 =	vmul.f32 $1.012658230e+02, v1;
	_ =	sdelay $0x1  }
0x68: {  	v1 =	vadd.f32 $-4.000000000e+03, v1;
	_ =	sdelay $0x1  }
0x69: {  	s21 =	sor.u32 $0xA80, s17;
	[tilespmem:s20+$0x3000] =	vst v1  }
0x6a: {  	v1 =	vld [tilespmem:s21+$0x0];
	_ =	sdelay $0x4  }
0x6b: {  	v1 =	vcvt.s32.f32 v1;
	_ =	sdelay $0x1  }
0x6c: {  	v1 =	vmul.f32 $1.012658230e+02, v1;
	_ =	sdelay $0x1  }
0x6d: {  	v1 =	vadd.f32 $-4.000000000e+03, v1;
	_ =	sdelay $0x1  }
0x6e: {  	s17 =	sor.u32 $0x1280, s17;
	[tilespmem:s21+$0x3000] =	vst v1  }
0x6f: {  	v1 =	vld [tilespmem:s17+$0x0];
	_ =	sdelay $0x4  }
0x70: {  	v1 =	vcvt.s32.f32 v1;
	_ =	sdelay $0x1  }
0x71: {  	v1 =	vmul.f32 $1.052631610e+02, v1;
	_ =	sdelay $0x1  }
0x72: {  	v1 =	vadd.f32 $0.0e+00, v1;
	_ =	sdelay $0x1  }
0x73: {  	[tilespmem:s17+$0x3000] =	vst v1  }
0x74: {  	v1 =	vld [tilespmem:s15+$0x300]  }
0x75: {  	v2 =	vld [tilespmem:s15+$0x1300]  }
0x76: {  	v4 =	vld [tilespmem:s20+$0x1800]  }
0x77: {  	v3 =	vld [tilespmem:s15+$0xB00];
	_ =	sdelay $0x2  }
0x78: {  	v63 =	vld [tilespmem:s15+$0x1B00];
	v1 =	vcvt.s32.f32 v1  }
0x79: {  	v2 =	vcvt.s32.f32 v2;
	vm14 =	vgt.f32 v4, $3.000000120e-01  }
0x7a: {  	v3 =	vcvt.s32.f32 v3;
	v4 =	vsel vm14, $0x3F800000, v0;
	v1 =	vmul.f32 $1.012658230e+02, v1  }
0x7b: {  	v4 =	vadd.f32 $-1.000000000e+00, v4;
	v2 =	vmul.f32 $1.052631610e+02, v2  }
0x7c: {  	v3 =	vmul.f32 $1.012658230e+02, v3;
	v1 =	vadd.f32 $-4.000000000e+03, v1  }
0x7d: {  	vm15 =	vgt.f32 v63, $3.000000120e-01;
	[tilespmem:s15+$0x4A80] =	vst v4;
	v2 =	vadd.f32 $0.0e+00, v2  }
0x7e: {  	[tilespmem:s15+$0x3300] =	vst v1;
	v1 =	vadd.f32 $-4.000000000e+03, v3;
	v3 =	vsel vm15, $0x3F800000, v0  }
0x7f: {  	[tilespmem:s15+$0x4300] =	vst v2;
	v3 =	vadd.f32 $-1.000000000e+00, v3  }
0x80: {  	s22 =	sor.u32 s2, s2;
	[tilespmem:s15+$0x3B00] =	vst v1  }
0x81: {  	s20 =	sor.u32 $0x380, s22;
	[tilespmem:s15+$0x4B00] =	vst v3  }
0x82: {  	v1 =	vld [tilespmem:s20+$0x0];
	_ =	sdelay $0x4  }
0x83: {  	v1 =	vcvt.s32.f32 v1;
	_ =	sdelay $0x1  }
0x84: {  	v1 =	vmul.f32 $1.012658230e+02, v1;
	_ =	sdelay $0x1  }
0x85: {  	v1 =	vadd.f32 $-4.000000000e+03, v1;
	_ =	sdelay $0x1  }
0x86: {  	s23 =	sor.u32 $0xB80, s22;
	[tilespmem:s20+$0x3000] =	vst v1  }
0x87: {  	v1 =	vld [tilespmem:s23+$0x0];
	_ =	sdelay $0x4  }
0x88: {  	v1 =	vcvt.s32.f32 v1;
	_ =	sdelay $0x1  }
0x89: {  	v1 =	vmul.f32 $1.012658230e+02, v1;
	_ =	sdelay $0x1  }
0x8a: {  	v1 =	vadd.f32 $-4.000000000e+03, v1;
	_ =	sdelay $0x1  }
0x8b: {  	s21 =	sor.u32 $0x1380, s22;
	[tilespmem:s23+$0x3000] =	vst v1  }
0x8c: {  	v1 =	vld [tilespmem:s21+$0x0];
	_ =	sdelay $0x4  }
0x8d: {  	s18 =	simm.s32 $0x0;
	s17 =	simm.s32 $0x10;
	v1 =	vcvt.s32.f32 v1  }
.LBB2_2:
0x8e: {  	p0 =	sne.s32 s17, $0xF0  }
0x8f: {  	s18 =	sadd.s32 $0x80, s18;
	s19 =	smov.u32 s17;
	s17 =	sadd.s32 $0x10, s17  }
0x90: {  	v1 =	vmul.f32 $1.052631610e+02, v1;
	_ =	sdelay $0x1  }
0x91: {  	v1 =	vadd.f32 $0.0e+00, v1;
	_ =	sdelay $0x1  }
0x92: {  	s22 =	sand.u32 $0x70, s19;
	s23 =	sand.u32 $0x400, s18;
	[tilespmem:s21+$0x3000] =	vst v1  }
0x93: {  	s21 =	sor.u32 s22, s23;
	v1 =	vld [tilespmem:s20+$0x1800]  }
0x94: {  	v2 =	vld [tilespmem:s21+$0x1000]  }
0x95: {  	v3 =	vld [tilespmem:s21+$0x0]  }
0x96: {  	v4 =	vld [tilespmem:s21+$0x800];
	_ =	sdelay $0x1  }
0x97: {  	v5 =	vld [tilespmem:s21+$0x1800];
	vm0 =	vgt.f32 v1, $3.000000120e-01  }
0x98: {  	v1 =	vcvt.s32.f32 v2;
	v2 =	vsel vm0, $0x3F800000, v0  }
0x99: {  	v3 =	vcvt.s32.f32 v3;
	v2 =	vadd.f32 $-1.000000000e+00, v2  }
0x9a: {  	v4 =	vcvt.s32.f32 v4;
	v1 =	vmul.f32 $1.052631610e+02, v1  }
0x9b: {  	v3 =	vmul.f32 $1.012658230e+02, v3;
	[tilespmem:s15+$0x4B80] =	vst v2;
	s15 =	smov.u32 s21  }
0x9c: {  	v2 =	vmul.f32 $1.012658230e+02, v4;
	v1 =	vadd.f32 $0.0e+00, v1;
	vm0 =	vgt.f32 v5, $3.000000120e-01  }
0x9d: {  	v3 =	vadd.f32 $-4.000000000e+03, v3;
	v4 =	vsel vm0, $0x3F800000, v0  }
0x9e: {  	v2 =	vadd.f32 $-4.000000000e+03, v2;
	[tilespmem:s15+$0x4000] =	vst v1;
	v1 =	vadd.f32 $-1.000000000e+00, v4  }
0x9f: {  	s20 =	sand.u32 $0xFFFFFC00, s18;
	[tilespmem:s15+$0x3000] =	vst v3  }
0xa0: {  	s20 =	sadd.s32 s20, s19;
	[tilespmem:s15+$0x4800] =	vst v1  }
0xa1: {  	s21 =	sor.u32 $0x80, s20;
	[tilespmem:s15+$0x3800] =	vst v2  }
0xa2: {  	v1 =	vld [tilespmem:s21+$0x0];
	_ =	sdelay $0x4  }
0xa3: {  	v1 =	vcvt.s32.f32 v1;
	_ =	sdelay $0x1  }
0xa4: {  	v1 =	vmul.f32 $1.012658230e+02, v1;
	_ =	sdelay $0x1  }
0xa5: {  	v1 =	vadd.f32 $-4.000000000e+03, v1;
	_ =	sdelay $0x1  }
0xa6: {  	s22 =	sor.u32 $0x880, s20;
	[tilespmem:s21+$0x3000] =	vst v1  }
0xa7: {  	v1 =	vld [tilespmem:s22+$0x0];
	_ =	sdelay $0x4  }
0xa8: {  	v1 =	vcvt.s32.f32 v1;
	_ =	sdelay $0x1  }
0xa9: {  	v1 =	vmul.f32 $1.012658230e+02, v1;
	_ =	sdelay $0x1  }
0xaa: {  	v1 =	vadd.f32 $-4.000000000e+03, v1;
	_ =	sdelay $0x1  }
0xab: {  	[tilespmem:s22+$0x3000] =	vst v1;
	s22 =	sor.u32 $0x1080, s20  }
0xac: {  	v1 =	vld [tilespmem:s22+$0x0];
	_ =	sdelay $0x4  }
0xad: {  	v1 =	vcvt.s32.f32 v1;
	_ =	sdelay $0x1  }
0xae: {  	v1 =	vmul.f32 $1.052631610e+02, v1;
	_ =	sdelay $0x1  }
0xaf: {  	v1 =	vadd.f32 $0.0e+00, v1;
	_ =	sdelay $0x1  }
0xb0: {  	[tilespmem:s22+$0x3000] =	vst v1  }
0xb1: {  	v1 =	vld [tilespmem:s15+$0x100]  }
0xb2: {  	v2 =	vld [tilespmem:s15+$0x900]  }
0xb3: {  	v3 =	vld [tilespmem:s15+$0x1100]  }
0xb4: {  	v4 =	vld [tilespmem:s15+$0x1900]  }
0xb5: {  	v5 =	vld [tilespmem:s21+$0x1800]  }
0xb6: {  	v1 =	vcvt.s32.f32 v1  }
0xb7: {  	v2 =	vcvt.s32.f32 v2  }
0xb8: {  	v1 =	vmul.f32 $1.012658230e+02, v1;
	v3 =	vcvt.s32.f32 v3  }
0xb9: {  	v2 =	vmul.f32 $1.012658230e+02, v2;
	vm0 =	vgt.f32 v4, $3.000000120e-01  }
0xba: {  	vm1 =	vgt.f32 v5, $3.000000120e-01;
	v1 =	vadd.f32 $-4.000000000e+03, v1;
	v3 =	vmul.f32 $1.052631610e+02, v3  }
0xbb: {  	v5 =	vsel vm0, $0x3F800000, v0;
	v4 =	vsel vm1, $0x3F800000, v0;
	v2 =	vadd.f32 $-4.000000000e+03, v2  }
0xbc: {  	v4 =	vadd.f32 $-1.000000000e+00, v4;
	[tilespmem:s15+$0x3100] =	vst v1;
	v1 =	vadd.f32 $0.0e+00, v3  }
0xbd: {  	[tilespmem:s15+$0x3900] =	vst v2;
	v2 =	vadd.f32 $-1.000000000e+00, v5  }
0xbe: {  	[tilespmem:s15+$0x4100] =	vst v1  }
0xbf: {  	[tilespmem:s15+$0x4900] =	vst v2  }
0xc0: {  	s21 =	sor.u32 $0x180, s20;
	[tilespmem:s15+$0x4880] =	vst v4  }
0xc1: {  	v1 =	vld [tilespmem:s21+$0x0];
	_ =	sdelay $0x4  }
0xc2: {  	v1 =	vcvt.s32.f32 v1;
	_ =	sdelay $0x1  }
0xc3: {  	v1 =	vmul.f32 $1.012658230e+02, v1;
	_ =	sdelay $0x1  }
0xc4: {  	v1 =	vadd.f32 $-4.000000000e+03, v1;
	_ =	sdelay $0x1  }
0xc5: {  	s22 =	sor.u32 $0x980, s20;
	[tilespmem:s21+$0x3000] =	vst v1  }
0xc6: {  	v1 =	vld [tilespmem:s22+$0x0];
	_ =	sdelay $0x4  }
0xc7: {  	v1 =	vcvt.s32.f32 v1;
	_ =	sdelay $0x1  }
0xc8: {  	v1 =	vmul.f32 $1.012658230e+02, v1;
	_ =	sdelay $0x1  }
0xc9: {  	v1 =	vadd.f32 $-4.000000000e+03, v1;
	_ =	sdelay $0x1  }
0xca: {  	[tilespmem:s22+$0x3000] =	vst v1;
	s22 =	sor.u32 $0x1180, s20  }
0xcb: {  	v1 =	vld [tilespmem:s22+$0x0];
	_ =	sdelay $0x4  }
0xcc: {  	v1 =	vcvt.s32.f32 v1;
	_ =	sdelay $0x1  }
0xcd: {  	v1 =	vmul.f32 $1.052631610e+02, v1;
	_ =	sdelay $0x1  }
0xce: {  	v1 =	vadd.f32 $0.0e+00, v1;
	_ =	sdelay $0x1  }
0xcf: {  	[tilespmem:s22+$0x3000] =	vst v1  }
0xd0: {  	v1 =	vld [tilespmem:s15+$0x200]  }
0xd1: {  	v2 =	vld [tilespmem:s15+$0xA00]  }
0xd2: {  	v3 =	vld [tilespmem:s15+$0x1200]  }
0xd3: {  	v4 =	vld [tilespmem:s21+$0x1800]  }
0xd4: {  	v5 =	vld [tilespmem:s15+$0x1A00]  }
0xd5: {  	v1 =	vcvt.s32.f32 v1  }
0xd6: {  	v2 =	vcvt.s32.f32 v2  }
0xd7: {  	v1 =	vmul.f32 $1.012658230e+02, v1;
	v3 =	vcvt.s32.f32 v3  }
0xd8: {  	vm0 =	vgt.f32 v4, $3.000000120e-01;
	v2 =	vmul.f32 $1.012658230e+02, v2  }
0xd9: {  	v1 =	vadd.f32 $-4.000000000e+03, v1;
	v3 =	vmul.f32 $1.052631610e+02, v3;
	vm1 =	vgt.f32 v5, $3.000000120e-01  }
0xda: {  	v4 =	vsel vm0, $0x3F800000, v0;
	v2 =	vadd.f32 $-4.000000000e+03, v2;
	v5 =	vsel vm1, $0x3F800000, v0  }
0xdb: {  	v4 =	vadd.f32 $-1.000000000e+00, v4;
	[tilespmem:s15+$0x3200] =	vst v1;
	v1 =	vadd.f32 $0.0e+00, v3  }
0xdc: {  	[tilespmem:s15+$0x3A00] =	vst v2;
	v2 =	vadd.f32 $-1.000000000e+00, v5  }
0xdd: {  	[tilespmem:s15+$0x4980] =	vst v4  }
0xde: {  	[tilespmem:s15+$0x4200] =	vst v1  }
0xdf: {  	s21 =	sor.u32 $0x280, s20;
	[tilespmem:s15+$0x4A00] =	vst v2  }
0xe0: {  	v1 =	vld [tilespmem:s21+$0x0];
	_ =	sdelay $0x4  }
0xe1: {  	v1 =	vcvt.s32.f32 v1;
	_ =	sdelay $0x1  }
0xe2: {  	v1 =	vmul.f32 $1.012658230e+02, v1;
	_ =	sdelay $0x1  }
0xe3: {  	v1 =	vadd.f32 $-4.000000000e+03, v1;
	_ =	sdelay $0x1  }
0xe4: {  	s22 =	sor.u32 $0xA80, s20;
	[tilespmem:s21+$0x3000] =	vst v1  }
0xe5: {  	v1 =	vld [tilespmem:s22+$0x0];
	_ =	sdelay $0x4  }
0xe6: {  	v1 =	vcvt.s32.f32 v1;
	_ =	sdelay $0x1  }
0xe7: {  	v1 =	vmul.f32 $1.012658230e+02, v1;
	_ =	sdelay $0x1  }
0xe8: {  	v1 =	vadd.f32 $-4.000000000e+03, v1;
	_ =	sdelay $0x1  }
0xe9: {  	s20 =	sor.u32 $0x1280, s20;
	[tilespmem:s22+$0x3000] =	vst v1  }
0xea: {  	v1 =	vld [tilespmem:s20+$0x0];
	_ =	sdelay $0x4  }
0xeb: {  	v1 =	vcvt.s32.f32 v1;
	_ =	sdelay $0x1  }
0xec: {  	v1 =	vmul.f32 $1.052631610e+02, v1;
	_ =	sdelay $0x1  }
0xed: {  	v1 =	vadd.f32 $0.0e+00, v1;
	_ =	sdelay $0x1  }
0xee: {  	[tilespmem:s20+$0x3000] =	vst v1  }
0xef: {  	v1 =	vld [tilespmem:s15+$0x300]  }
0xf0: {  	v2 =	vld [tilespmem:s15+$0x1300]  }
0xf1: {  	v3 =	vld [tilespmem:s15+$0xB00]  }
0xf2: {  	v4 =	vld [tilespmem:s21+$0x1800]  }
0xf3: {  	v5 =	vld [tilespmem:s15+$0x1B00]  }
0xf4: {  	v1 =	vcvt.s32.f32 v1  }
0xf5: {  	v2 =	vcvt.s32.f32 v2  }
0xf6: {  	v1 =	vmul.f32 $1.012658230e+02, v1;
	v3 =	vcvt.s32.f32 v3  }
0xf7: {  	vm0 =	vgt.f32 v4, $3.000000120e-01;
	v2 =	vmul.f32 $1.052631610e+02, v2  }
0xf8: {  	v4 =	vsel vm0, $0x3F800000, v0;
	v1 =	vadd.f32 $-4.000000000e+03, v1;
	v3 =	vmul.f32 $1.012658230e+02, v3  }
0xf9: {  	vm0 =	vgt.f32 v5, $3.000000120e-01;
	v4 =	vadd.f32 $-1.000000000e+00, v4;
	v2 =	vadd.f32 $0.0e+00, v2  }
0xfa: {  	[tilespmem:s15+$0x3300] =	vst v1;
	v1 =	vadd.f32 $-4.000000000e+03, v3;
	v3 =	vsel vm0, $0x3F800000, v0  }
0xfb: {  	[tilespmem:s15+$0x4A80] =	vst v4;
	v3 =	vadd.f32 $-1.000000000e+00, v3  }
0xfc: {  	s19 =	sor.u32 s19, s18;
	[tilespmem:s15+$0x3B00] =	vst v1  }
0xfd: {  	s20 =	sor.u32 $0x380, s19;
	[tilespmem:s15+$0x4B00] =	vst v3  }
0xfe: {  	[tilespmem:s15+$0x4300] =	vst v2  }
0xff: {  	v1 =	vld [tilespmem:s20+$0x0];
	_ =	sdelay $0x4  }
0x100: {  	v1 =	vcvt.s32.f32 v1;
	_ =	sdelay $0x1  }
0x101: {  	v1 =	vmul.f32 $1.012658230e+02, v1;
	_ =	sdelay $0x1  }
0x102: {  	v1 =	vadd.f32 $-4.000000000e+03, v1  }
0x103: {  	s22 =	sor.u32 $0xB80, s19  }
0x104: {  	[tilespmem:s20+$0x3000] =	vst v1  }
0x105: {  	v1 =	vld [tilespmem:s22+$0x0];
	_ =	sdelay $0x4  }
0x106: {  	v1 =	vcvt.s32.f32 v1;
	_ =	sdelay $0x1  }
0x107: {  	v1 =	vmul.f32 $1.012658230e+02, v1;
	_ =	sdelay $0x1  }
0x108: {  	v1 =	vadd.f32 $-4.000000000e+03, v1  }
0x109: {  	s21 =	sor.u32 $0x1380, s19  }
0x10a: {  	[tilespmem:s22+$0x3000] =	vst v1  }
0x10b: {  	v1 =	vld [tilespmem:s21+$0x0]  }
.Ltmp0:
0x10c: {  	(pc) =	sbr.rel @p0 .LBB2_2-.Ltmp0, $2  }
0x10d: {  	_ =	sdelay $0x2  }
0x10e: {  	v1 =	vcvt.s32.f32 v1  }
0x10f: {  	_ = 	snop  }
0x110: {  	v1 =	vmul.f32 $1.052631610e+02, v1;
	_ =	sdelay $0x1  }
0x111: {  	v1 =	vadd.f32 $0.0e+00, v1;
	_ =	sdelay $0x1  }
0x112: {  	[tilespmem:s21+$0x3000] =	vst v1  }
0x113: {  	v1 =	vld [tilespmem:s20+$0x1800];
	_ =	sdelay $0x4  }
0x114: {  	vm0 =	vgt.f32 v1, $3.000000120e-01  }
0x115: {  	v1 =	vsel vm0, $0x3F800000, v0  }
0x116: {  	v1 =	vadd.f32 $-1.000000000e+00, v1;
	_ =	sdelay $0x1  }
0x117: {  	s22 =	simm.s32 $0x3000;
	[tilespmem:s15+$0x4B80] =	vst v1  }
0x118: {  	[hbm4b:s4+s11] =	stream.strided.scatter [tilespmem:s22], [sflag:$0x1], $0x2000, s12, s11, $0x38;
	[tilespmem:$0x5000] =	vst v63  }
0x119: {  	_ =	swait.ge [sflag:s13], $0x2000  }
0x11a: {  	[sflag:s13] =	ssyncset.done $0x0  }
0x11b: {  	[sflag:s13] =	ssyncadd.s32 $0xFFFFE000  }
0x11c: {  	[hbm4b:s7+s2] =	stream.linear.scatter [tilespmem:s14], [sflag:$0x1], $0x800, $0x38;
	[tilespmem:$0x5000] =	vst v63  }
0x11d: {  	_ =	swait.ge [sflag:s13], $0x800  }
0x11e: {  	[sflag:s13] =	ssyncset.done $0x0  }
0x11f: {  	[sflag:s13] =	ssyncadd.s32 $0xFFFFF800  }
0x120: {  	[hbm4b:s8+s2] =	stream.linear.scatter [tilespmem:s16], [sflag:$0x1], $0x80, $0x38;
	[tilespmem:$0x5000] =	vst v63  }
0x121: {  	s23 =	sadd.s32 $0x10, s8;
	s17 =	simm.s32 $0x2200  }
0x122: {  	[hbm4b:s23+s2] =	stream.linear.scatter [tilespmem:s17], [sflag:$0x1], $0x80, $0x38;
	[tilespmem:$0x5000] =	vst v63  }
0x123: {  	s18 =	sadd.s32 $0x20, s8;
	s19 =	simm.s32 $0x2400  }
0x124: {  	[hbm4b:s18+s2] =	stream.linear.scatter [tilespmem:s19], [sflag:$0x1], $0x80, $0x38;
	[tilespmem:$0x5000] =	vst v63  }
0x125: {  	s21 =	simm.s32 $0x2600;
	s20 =	sadd.s32 $0x30, s8  }
0x126: {  	[hbm4b:s20+s2] =	stream.linear.scatter [tilespmem:s21], [sflag:$0x1], $0x80, $0x38;
	[tilespmem:$0x5000] =	vst v63  }
0x127: {  	s22 =	sadd.s32 $0x40, s8;
	s23 =	simm.s32 $0x2800  }
0x128: {  	[hbm4b:s22+s2] =	stream.linear.scatter [tilespmem:s23], [sflag:$0x1], $0x80, $0x38;
	[tilespmem:$0x5000] =	vst v63  }
0x129: {  	s18 =	sadd.s32 $0x50, s8;
	s19 =	simm.s32 $0x2A00  }
0x12a: {  	[hbm4b:s18+s2] =	stream.linear.scatter [tilespmem:s19], [sflag:$0x1], $0x80, $0x38;
	[tilespmem:$0x5000] =	vst v63  }
0x12b: {  	s20 =	sadd.s32 $0x60, s8;
	s21 =	simm.s32 $0x2C00  }
0x12c: {  	[hbm4b:s20+s2] =	stream.linear.scatter [tilespmem:s21], [sflag:$0x1], $0x80, $0x38;
	[tilespmem:$0x5000] =	vst v63  }
0x12d: {  	s22 =	sadd.s32 $0x70, s8;
	s23 =	simm.s32 $0x2E00  }
0x12e: {  	[hbm4b:s22+s2] =	stream.linear.scatter [tilespmem:s23], [sflag:$0x1], $0x80, $0x38;
	[tilespmem:$0x5000] =	vst v63  }
0x12f: {  	s18 =	sadd.s32 $0x80, s8;
	s19 =	simm.s32 $0x2100  }
0x130: {  	[hbm4b:s18+s2] =	stream.linear.scatter [tilespmem:s19], [sflag:$0x1], $0x80, $0x38;
	[tilespmem:$0x5000] =	vst v63  }
0x131: {  	s20 =	sadd.s32 $0x90, s8;
	s21 =	simm.s32 $0x2300  }
0x132: {  	[hbm4b:s20+s2] =	stream.linear.scatter [tilespmem:s21], [sflag:$0x1], $0x80, $0x38;
	[tilespmem:$0x5000] =	vst v63  }
0x133: {  	s22 =	sadd.s32 $0xA0, s8;
	s23 =	simm.s32 $0x2500  }
0x134: {  	[hbm4b:s22+s2] =	stream.linear.scatter [tilespmem:s23], [sflag:$0x1], $0x80, $0x38;
	[tilespmem:$0x5000] =	vst v63  }
0x135: {  	s18 =	sadd.s32 $0xB0, s8;
	s19 =	simm.s32 $0x2700  }
0x136: {  	[hbm4b:s18+s2] =	stream.linear.scatter [tilespmem:s19], [sflag:$0x1], $0x80, $0x38;
	[tilespmem:$0x5000] =	vst v63  }
0x137: {  	s20 =	sadd.s32 $0xC0, s8;
	s21 =	simm.s32 $0x2900  }
0x138: {  	[hbm4b:s20+s2] =	stream.linear.scatter [tilespmem:s21], [sflag:$0x1], $0x80, $0x38;
	[tilespmem:$0x5000] =	vst v63  }
0x139: {  	s22 =	sadd.s32 $0xD0, s8;
	s23 =	simm.s32 $0x2B00  }
0x13a: {  	[hbm4b:s22+s2] =	stream.linear.scatter [tilespmem:s23], [sflag:$0x1], $0x80, $0x38;
	[tilespmem:$0x5000] =	vst v63  }
0x13b: {  	s17 =	sadd.s32 $0xE0, s8;
	s18 =	simm.s32 $0x2D00  }
0x13c: {  	[hbm4b:s17+s2] =	stream.linear.scatter [tilespmem:s18], [sflag:$0x1], $0x80, $0x38;
	[tilespmem:$0x5000] =	vst v63  }
0x13d: {  	s19 =	sadd.s32 $0xF0, s8;
	s20 =	simm.s32 $0x2F00  }
0x13e: {  	[hbm4b:s19+s2] =	stream.linear.scatter [tilespmem:s20], [sflag:$0x1], $0x80, $0x38;
	[tilespmem:$0x5000] =	vst v63  }
0x13f: {  	_ =	swait.ge [sflag:s13], $0x800  }
0x140: {  	[sflag:s13] =	ssyncset.done $0x0  }
0x141: {  	s21 =	simm.s32 $0x2080;
	[sflag:s13] =	ssyncadd.s32 $0xFFFFF800  }
0x142: {  	[hbm4b:s9+s2] =	stream.linear.scatter [tilespmem:s21], [sflag:$0x1], $0x80, $0x38;
	[tilespmem:$0x5000] =	vst v63  }
0x143: {  	s22 =	sadd.s32 $0x10, s9;
	s23 =	simm.s32 $0x2280  }
0x144: {  	[hbm4b:s22+s2] =	stream.linear.scatter [tilespmem:s23], [sflag:$0x1], $0x80, $0x38;
	[tilespmem:$0x5000] =	vst v63  }
0x145: {  	s18 =	sadd.s32 $0x20, s9;
	s19 =	simm.s32 $0x2480  }
0x146: {  	[hbm4b:s18+s2] =	stream.linear.scatter [tilespmem:s19], [sflag:$0x1], $0x80, $0x38;
	[tilespmem:$0x5000] =	vst v63  }
0x147: {  	s20 =	sadd.s32 $0x30, s9;
	s21 =	simm.s32 $0x2680  }
0x148: {  	[hbm4b:s20+s2] =	stream.linear.scatter [tilespmem:s21], [sflag:$0x1], $0x80, $0x38;
	[tilespmem:$0x5000] =	vst v63  }
0x149: {  	s22 =	sadd.s32 $0x40, s9;
	s23 =	simm.s32 $0x2880  }
0x14a: {  	[hbm4b:s22+s2] =	stream.linear.scatter [tilespmem:s23], [sflag:$0x1], $0x80, $0x38;
	[tilespmem:$0x5000] =	vst v63  }
0x14b: {  	s17 =	sadd.s32 $0x50, s9;
	s18 =	simm.s32 $0x2A80  }
0x14c: {  	[hbm4b:s17+s2] =	stream.linear.scatter [tilespmem:s18], [sflag:$0x1], $0x80, $0x38;
	[tilespmem:$0x5000] =	vst v63  }
0x14d: {  	s19 =	sadd.s32 $0x60, s9;
	s20 =	simm.s32 $0x2C80  }
0x14e: {  	[hbm4b:s19+s2] =	stream.linear.scatter [tilespmem:s20], [sflag:$0x1], $0x80, $0x38;
	[tilespmem:$0x5000] =	vst v63  }
0x14f: {  	s21 =	sadd.s32 $0x70, s9;
	s22 =	simm.s32 $0x2E80  }
0x150: {  	[hbm4b:s21+s2] =	stream.linear.scatter [tilespmem:s22], [sflag:$0x1], $0x80, $0x38;
	[tilespmem:$0x5000] =	vst v63  }
0x151: {  	s23 =	sadd.s32 $0x80, s9  }
0x152: {  	[hbm4b:s23+s2] =	stream.linear.scatter [tilespmem:s24], [sflag:$0x1], $0x80, $0x38;
	[tilespmem:$0x5000] =	vst v63  }
0x153: {  	s17 =	sadd.s32 $0x90, s9  }
0x154: {  	[hbm4b:s17+s2] =	stream.linear.scatter [tilespmem:s25], [sflag:$0x1], $0x80, $0x38;
	[tilespmem:$0x5000] =	vst v63  }
0x155: {  	s18 =	sadd.s32 $0xA0, s9  }
0x156: {  	[hbm4b:s18+s2] =	stream.linear.scatter [tilespmem:s26], [sflag:$0x1], $0x80, $0x38;
	[tilespmem:$0x5000] =	vst v63  }
0x157: {  	s19 =	sadd.s32 $0xB0, s9  }
0x158: {  	[hbm4b:s19+s2] =	stream.linear.scatter [tilespmem:s28], [sflag:$0x1], $0x80, $0x38;
	[tilespmem:$0x5000] =	vst v63  }
0x159: {  	s20 =	sadd.s32 $0xC0, s9  }
0x15a: {  	[hbm4b:s20+s2] =	stream.linear.scatter [tilespmem:s29], [sflag:$0x1], $0x80, $0x38;
	[tilespmem:$0x5000] =	vst v63  }
0x15b: {  	s1 =	sadd.s32 $0x1, s1;
	s21 =	sadd.s32 $0xD0, s9  }
0x15c: {  	[hbm4b:s21+s2] =	stream.linear.scatter [tilespmem:s30], [sflag:$0x1], $0x80, $0x38;
	[tilespmem:$0x5000] =	vst v63  }
0x15d: {  	p0 =	sne.s32 s1, s10;
	s22 =	sadd.s32 $0xE0, s9  }
0x15e: {  	[hbm4b:s22+s2] =	stream.linear.scatter [tilespmem:s31], [sflag:$0x1], $0x80, $0x38;
	[tilespmem:$0x5000] =	vst v63  }
.Ltmp1:
0x15f: {  	s23 =	sadd.s32 $0xF0, s9;
	(pc) =	sbr.rel @p0 .LBB2_1-.Ltmp1, $4  }
0x160: {  	[hbm4b:s23+s2] =	stream.linear.scatter [tilespmem:s0], [sflag:$0x1], $0x80, $0x38;
	[tilespmem:$0x5000] =	vst v63  }
0x161: {  	_ =	swait.ge [sflag:s13], $0x800  }
0x162: {  	[sflag:s13] =	ssyncset.done $0x0  }
0x163: {  	[sflag:s13] =	ssyncadd.s32 $0xFFFFF800  }
0x164: {  	_ =	sfence.sel $0x180000  }
0x165: {  	[bflag:$0x0] =	sbarrier.arrive $0xFFFF  }
0x166: {  	_ =	strace $0x90000047  }
0x167: {  	s0 =	stileid.u32;
	[bflag:$0x2] =	sbarrier.arrive $0xFFFF  }
0x168: {  	p0 =	sne.s32 s0, $0x0;
	s0 =	rddreg [dreg:$0x4]  }
0x169: {  	s0 =	sadd.s32 @!p0 $0x100000, s0  }
0x16a: {  	[sflag:s0] =	ssyncadd.tile.s32 @!p0 $0x1;
	_ =	shalt  }
.Lfunc_end2:
_tile_overlayer_lowered:
.L_overlay_start_2:
0x16b: {  	(tag) =	ssettag $0x2  }
0x16c: {  	s0 =	rddreg [dreg:$0x0];
	s2 =	stileid.u32  }
0x16d: {  	s1 =	rddreg [dreg:$0x1];
	p0 =	sne.s32 s2, $0x0  }
0x16e: {  	s3 =	rddreg [dreg:$0x2];
	[bflag:$0x3] =	sbarrier.arrive $0xFFFF;
	s2 =	simm.s32 @!p0 $0x1C01  }
0x16f: {  	[timem:s3], [sflag:s2] =	dma.local @!p0 [hbm:s0], s1  }
0x170: {  	s0 =	simm.s32 @!p0 $0x1  }
0x171: {  	_ =	swait.ge @!p0 [sflag:s0], s1  }
0x172: {  	s1 =	ssub.s32 @!p0 $0x0, s1;
	[sflag:s0] =	ssyncset.done @!p0 $0x0  }
0x173: {  	[sflag:s0] =	ssyncadd.s32 @!p0 s1  }
0x174: {  	[bflag:$0x3] =	sbarrier.arrive $0xFFFF  }
0x175: {  	_ =	shalt  }

</sc_bundles>
